<compile_context>
chip_gen: v7x
topology: tpu7x:2x2x1
jax: 0.10.2.dev20260603
libtpu: 0.0.44.dev20260713+nightly
codegen_flags: <defaults>
</compile_context>

<pallas_src>
import functools

import jax
import jax.numpy as jnp
from jax import lax
from jax.experimental import pallas as pl
from jax.experimental.pallas import tpu as pltpu
from jax.experimental.pallas import tpu_sc as plsc

N_NODES = 10000
NPAD = 10240
N_EDGES = 320000
DIM = 128

NC, NS = 2, 16
NW = NC * NS
EPT = N_EDGES // NW
CHUNK = 80
NSTEPS = EPT // CHUNK
ROWS_PT = NPAD // NS


def _sc_agg_body(with_cnt, feats_hbm, src_hbm, dst_hbm, *rest):
  if with_cnt:
    (agg_out, cnt_out, idx_sb, idx_d0, idx_d1, idx_d2,
     rows0, rows1, rows2, acc_sh,
     bsem, gsem0, gsem1, gsem2, ssem0, ssem1, ssem2,
     isem0, isem1, isem2) = rest
  else:
    (agg_out, idx_sb, idx_d0, idx_d1, idx_d2,
     rows0, rows1, rows2, acc_sh,
     bsem, gsem0, gsem1, gsem2, ssem0, ssem1, ssem2,
     isem0, isem1, isem2) = rest
  cid = lax.axis_index("c")
  sid = lax.axis_index("s")
  wid = sid * NC + cid
  z16 = jnp.zeros((16,), jnp.float32)
  bufs = ((idx_d0, rows0, gsem0, ssem0, isem0),
          (idx_d1, rows1, gsem1, ssem1, isem1),
          (idx_d2, rows2, gsem2, ssem2, isem2))
  estart = wid * EPT

  big = pltpu.async_copy(src_hbm.at[pl.ds(estart, EPT)], idx_sb, bsem)

  def zb(i, _):
    r = i // (DIM // 16)
    c = (i % (DIM // 16)) * 16
    rows0[r, pl.ds(c, 16)] = z16
    return _
  lax.fori_loop(0, CHUNK * (DIM // 16), zb, None)

  rbase = sid * ROWS_PT
  for j in range(ROWS_PT // CHUNK):
    pltpu.sync_copy(rows0, acc_sh.at[pl.ds(rbase + j * CHUNK, CHUNK)])
  big.wait()
  plsc.subcore_barrier()

  if with_cnt:
    o16 = jnp.ones((16,), jnp.float32)
    def ob(i, _):
      r = i // (DIM // 16)
      c = (i % (DIM // 16)) * 16
      rows0[r, pl.ds(c, 16)] = o16
      return _
    lax.fori_loop(0, CHUNK * (DIM // 16), ob, None)

    def c_issue(i, b):
      idx_d = bufs[b][0]
      isem = bufs[b][4]
      off = estart + i * CHUNK
      pltpu.async_copy(dst_hbm.at[pl.ds(off, CHUNK)], idx_d, isem)

    def c_wait_idx(i, b):
      idx_d = bufs[b][0]
      isem = bufs[b][4]
      off = estart + i * CHUNK
      pltpu.make_async_copy(dst_hbm.at[pl.ds(off, CHUNK)], idx_d,
                            isem).wait()

    def c_wait_scatter(b):
      idx_d = bufs[b][0]
      ssem = bufs[b][3]
      pltpu.make_async_copy(rows0, acc_sh.at[idx_d], ssem).wait()

    c_issue(0, 0)
    c_issue(1, 1)

    def c_tri(i3, _):
      for b in range(3):
        i = i3 * 3 + b
        @pl.when(i < NSTEPS)
        def _process():
          idx_d = bufs[b][0]
          ssem = bufs[b][3]
          c_wait_idx(i, b)
          pltpu.async_copy(rows0, acc_sh.at[idx_d], ssem, add=True)
          @pl.when(i + 2 < NSTEPS)
          def _refill():
            b2 = (b + 2) % 3
            @pl.when(i >= 1)
            def _drain():
              c_wait_scatter(b2)
            c_issue(i + 2, b2)
      return _
    lax.fori_loop(0, (NSTEPS + 2) // 3, c_tri, None)

    c_wait_scatter((NSTEPS - 3) % 3)
    c_wait_scatter((NSTEPS - 2) % 3)
    c_wait_scatter((NSTEPS - 1) % 3)
    plsc.subcore_barrier()

    pltpu.sync_copy(acc_sh.at[pl.ds(rbase, ROWS_PT)],
                    cnt_out.at[cid, pl.ds(rbase, ROWS_PT)])
    def zb2(i, _):
      r = i // (DIM // 16)
      c = (i % (DIM // 16)) * 16
      rows0[r, pl.ds(c, 16)] = z16
      return _
    lax.fori_loop(0, CHUNK * (DIM // 16), zb2, None)
    for j in range(ROWS_PT // CHUNK):
      pltpu.sync_copy(rows0, acc_sh.at[pl.ds(rbase + j * CHUNK, CHUNK)])
    plsc.subcore_barrier()

  def issue(i, b):
    idx_d, rows, gsem, _, isem = bufs[b]
    off = estart + i * CHUNK
    pltpu.async_copy(dst_hbm.at[pl.ds(off, CHUNK)], idx_d, isem)
    pltpu.async_copy(feats_hbm.at[idx_sb.at[pl.ds(i * CHUNK, CHUNK)]],
                     rows, gsem)

  def wait_gather(i, b):
    idx_d, rows, gsem, _, isem = bufs[b]
    pltpu.make_async_copy(feats_hbm.at[idx_sb.at[pl.ds(i * CHUNK, CHUNK)]],
                          rows, gsem).wait()
    off = estart + i * CHUNK
    pltpu.make_async_copy(dst_hbm.at[pl.ds(off, CHUNK)], idx_d, isem).wait()

  def wait_scatter(b):
    idx_d, rows, _, ssem, _ = bufs[b]
    pltpu.make_async_copy(rows, acc_sh.at[idx_d], ssem).wait()

  issue(0, 0)
  issue(1, 1)

  def tri(i3, _):
    for b in range(3):
      i = i3 * 3 + b
      @pl.when(i < NSTEPS)
      def _process():
        idx_d, rows, _, ssem, _ = bufs[b]
        wait_gather(i, b)
        pltpu.async_copy(rows, acc_sh.at[idx_d], ssem, add=True)
        @pl.when(i + 2 < NSTEPS)
        def _refill():
          b2 = (b + 2) % 3
          @pl.when(i >= 1)
          def _drain():
            wait_scatter(b2)
          issue(i + 2, b2)
    return _
  lax.fori_loop(0, (NSTEPS + 2) // 3, tri, None)

  wait_scatter((NSTEPS - 3) % 3)
  wait_scatter((NSTEPS - 2) % 3)
  wait_scatter((NSTEPS - 1) % 3)
  plsc.subcore_barrier()

  pltpu.sync_copy(acc_sh.at[pl.ds(rbase, ROWS_PT)],
                  agg_out.at[cid, pl.ds(rbase, ROWS_PT)])


_SC_MESH = plsc.VectorSubcoreMesh(core_axis_name="c", subcore_axis_name="s")

def _make_sc_agg(with_cnt):
  outs = [jax.ShapeDtypeStruct((NC, NPAD, DIM), jnp.float32)]
  if with_cnt:
    outs = outs + [jax.ShapeDtypeStruct((NC, NPAD, DIM), jnp.float32)]
  return pl.kernel(
      functools.partial(_sc_agg_body, with_cnt),
      out_type=tuple(outs) if with_cnt else outs[0],
      mesh=_SC_MESH,
      scratch_types=(
          [pltpu.VMEM((EPT,), jnp.int32)] +
          [pltpu.VMEM((CHUNK,), jnp.int32)] * 3 +
          [pltpu.VMEM((CHUNK, DIM), jnp.float32)] * 3 +
          [pltpu.VMEM_SHARED((NPAD, DIM), jnp.float32)] +
          [pltpu.SemaphoreType.DMA] * 10
      ),
      name="sc_sage_aggregate" + ("_cnt" if with_cnt else ""),
  )


_sc_agg_cnt = _make_sc_agg(True)
_sc_agg = _make_sc_agg(False)

BR = 1000


def _tc_layer_body(do_relu, parts_ref, cnt_ref, x_ref, wl_ref, bl_ref,
                   wr_ref, o_ref):
  agg = parts_ref[0] + parts_ref[1]
  cnt = cnt_ref[0, :, 0:1] + cnt_ref[1, :, 0:1]
  mean = agg / jnp.maximum(cnt, 1.0)
  y = jnp.dot(mean, wl_ref[...], preferred_element_type=jnp.float32)
  y = y + bl_ref[...]
  y = y + jnp.dot(x_ref[...], wr_ref[...], preferred_element_type=jnp.float32)
  if do_relu:
    y = jnp.maximum(y, 0.0)
  o_ref[...] = y


def _tc_layer(parts, cnt, x, Wl, bl, Wr, do_relu):
  grid = (N_NODES // BR,)
  return pl.pallas_call(
      functools.partial(_tc_layer_body, do_relu),
      grid=grid,
      in_specs=[
          pl.BlockSpec((NC, BR, DIM), lambda i: (0, i, 0)),
          pl.BlockSpec((NC, BR, DIM), lambda i: (0, i, 0)),
          pl.BlockSpec((BR, DIM), lambda i: (i, 0)),
          pl.BlockSpec((DIM, DIM), lambda i: (0, 0)),
          pl.BlockSpec((1, DIM), lambda i: (0, 0)),
          pl.BlockSpec((DIM, DIM), lambda i: (0, 0)),
      ],
      out_specs=pl.BlockSpec((BR, DIM), lambda i: (i, 0)),
      out_shape=jax.ShapeDtypeStruct((N_NODES, DIM), jnp.float32),
      name="tc_sage_linear" + ("_relu" if do_relu else ""),
  )(parts, cnt, x, Wl, bl.reshape(1, DIM), Wr)


def kernel(x, edge_index, edge_weight, Wl1, bl1, Wr1, Wl2, bl2, Wr2):
  del edge_weight
  src = edge_index[0]
  dst = edge_index[1]
  agg1, cnt = _sc_agg_cnt(x, src, dst)
  h = _tc_layer(agg1, cnt, x, Wl1, bl1, Wr1, do_relu=True)
  agg2 = _sc_agg(h, src, dst)
  out = _tc_layer(agg2, cnt, h, Wl2, bl2, Wr2, do_relu=False)
  return out

# --- scband reference (transcript-rebuilt; emitter-appended) ---
"""Pipeline reference for scband-graph-sageencoder-13142599925969 (READ-ONLY COPY).

The authoritative reference and input builder live on the scoring server;
editing this copy changes nothing except your own understanding.
"""

import jax, jax.numpy as jnp
import numpy as np

N, E, D = 10000, 320000, 128

def setup_inputs(seed: int = 0):
    key = jax.random.key(seed)
    ks = jax.random.split(key, 12)
    x = jax.random.normal(ks[0], (N, D), dtype=jnp.float32)
    edge_index = jax.random.randint(ks[1], (2, E), 0, N, dtype=jnp.int32)
    edge_weight = jax.random.uniform(ks[2], (E,), dtype=jnp.float32)
    s = 1.0 / np.sqrt(D)
    Wl1 = jax.random.uniform(ks[3], (D, D), dtype=jnp.float32, minval=-s, maxval=s)
    bl1 = jnp.zeros((D,), dtype=jnp.float32)
    Wr1 = jax.random.uniform(ks[4], (D, D), dtype=jnp.float32, minval=-s, maxval=s)
    Wl2 = jax.random.uniform(ks[5], (D, D), dtype=jnp.float32, minval=-s, maxval=s)
    bl2 = jnp.zeros((D,), dtype=jnp.float32)
    Wr2 = jax.random.uniform(ks[6], (D, D), dtype=jnp.float32, minval=-s, maxval=s)
    return {"x": x, "edge_index": edge_index, "edge_weight": edge_weight,
            "Wl1": Wl1, "bl1": bl1, "Wr1": Wr1,
            "Wl2": Wl2, "bl2": bl2, "Wr2": Wr2}

def _sage_layer(x, edge_index, Wl, bl, Wr):
    # PyG SAGEConv (aggr='mean'): out = lin_l(mean_{j in N(i)} x_j) + lin_r(x_i)
    src = edge_index[0]
    dst = edge_index[1]
    msgs = jnp.take(x, src, axis=0)                      # gather  [E, d]
    agg = jax.ops.segment_sum(msgs, dst, num_segments=x.shape[0])  # scatter-add
    cnt = jax.ops.segment_sum(jnp.ones((msgs.shape[0], 1), dtype=x.dtype), dst,
                              num_segments=x.shape[0])
    mean = agg / jnp.maximum(cnt, 1.0)
    return mean @ Wl + bl + x @ Wr

def reference(x, edge_index, edge_weight, Wl1, bl1, Wr1, Wl2, bl2, Wr2):
    # edge_weight is IGNORED, matching the torch module's documented behavior.
    h = _sage_layer(x, edge_index, Wl1, bl1, Wr1)
    h = jax.nn.relu(h)
    out = _sage_layer(h, edge_index, Wl2, bl2, Wr2)
    return out

if __name__ == "__main__":
    import jax
    _d = setup_inputs()
    print(jax.jit(kernel)(*tuple(_d.values())))

</pallas_src>

<mosaic_0001>
#map = affine_map<(d0, d1) -> (0, 0)>
#map1 = affine_map<(d0, d1) -> (0)>
#map2 = affine_map<(d0, d1) -> (0, 0, 0)>
module attributes {stable_mosaic.version = 14 : i64} {
  func.func @sc_sage_aggregate_cnt(%arg0: i32, %arg1: i32, %arg2: memref<10000x128xf32, #tpu.memory_space<hbm>>, %arg3: memref<320000xi32, #tpu.memory_space<hbm>>, %arg4: memref<320000xi32, #tpu.memory_space<hbm>>, %arg5: memref<2x10240x128xf32, #tpu.memory_space<hbm>>, %arg6: memref<2x10240x128xf32, #tpu.memory_space<hbm>>, %arg7: memref<10000xi32, #tpu.memory_space<vmem>>, %arg8: memref<80xi32, #tpu.memory_space<vmem>>, %arg9: memref<80xi32, #tpu.memory_space<vmem>>, %arg10: memref<80xi32, #tpu.memory_space<vmem>>, %arg11: memref<80x128xf32, #tpu.memory_space<vmem>>, %arg12: memref<80x128xf32, #tpu.memory_space<vmem>>, %arg13: memref<80x128xf32, #tpu.memory_space<vmem>>, %arg14: memref<10240x128xf32, #tpu.memory_space<vmem_shared>>, %arg15: memref<!tpu.dma_semaphore, #tpu.memory_space<semaphore_mem>>, %arg16: memref<!tpu.dma_semaphore, #tpu.memory_space<semaphore_mem>>, %arg17: memref<!tpu.dma_semaphore, #tpu.memory_space<semaphore_mem>>, %arg18: memref<!tpu.dma_semaphore, #tpu.memory_space<semaphore_mem>>, %arg19: memref<!tpu.dma_semaphore, #tpu.memory_space<semaphore_mem>>, %arg20: memref<!tpu.dma_semaphore, #tpu.memory_space<semaphore_mem>>, %arg21: memref<!tpu.dma_semaphore, #tpu.memory_space<semaphore_mem>>, %arg22: memref<!tpu.dma_semaphore, #tpu.memory_space<semaphore_mem>>, %arg23: memref<!tpu.dma_semaphore, #tpu.memory_space<semaphore_mem>>, %arg24: memref<!tpu.dma_semaphore, #tpu.memory_space<semaphore_mem>>) attributes {dimension_semantics = [#tpu.dimension_semantics<core_parallel>, #tpu.dimension_semantics<subcore_parallel>], iteration_bounds = array<i64: 2, 16>, scalar_prefetch = 0 : i64, scratch_operands = 18 : i64, tpu.core_type = #tpu.core_type<sc_vector_subcore>, window_params = [{transform_indices = #map}, {transform_indices = #map1}, {transform_indices = #map1}, {transform_indices = #map2}, {transform_indices = #map2}]} {
    %mul3A = arith.constant 2 : i32
    %mul3A_0 = arith.muli %arg1, %mul3A : i32
    %add3A = arith.addi %mul3A_0, %arg0 : i32
    %broadcast_in_dim3A = arith.constant 0.000000e+00 : f32
    %broadcast_in_dim3A_1 = vector.broadcast %broadcast_in_dim3A : f32 to vector<16xf32>
    %mul3A_2 = arith.constant 10000 : i32
    %mul3A_3 = arith.muli %add3A, %mul3A_2 : i32
    %dma_start3A = tpu.memref_slice %arg3[%mul3A_3] : memref<320000xi32, #tpu.memory_space<hbm>> -> memref<10000xi32, #tpu.memory_space<hbm>>
    %dma_start3A_4 = tpu.memref_slice %arg3[%mul3A_3] : memref<320000xi32, #tpu.memory_space<hbm>> -> memref<10000xi32, #tpu.memory_space<hbm>>
    tpu.enqueue_dma source(%dma_start3A_4 : memref<10000xi32, #tpu.memory_space<hbm>>) target(%arg7 : memref<10000xi32, #tpu.memory_space<vmem>>) target_semaphore(%arg15 : memref<!tpu.dma_semaphore, #tpu.memory_space<semaphore_mem>>)
    %scan3A = arith.constant 0 : i32
    %scan3A_5 = arith.constant 640 : i32
    %scan3A_6 = arith.addi %scan3A, %scan3A_5 : i32
    %scan3A_7 = arith.constant 1 : i32
    scf.for %scan3A_113 = %scan3A to %scan3A_6 step %scan3A_7  : i32 {
      %jit3A = arith.constant 8 : i32
      %div3A = arith.divsi %scan3A_113, %jit3A : i32
      %sign3A = arith.constant 0 : i32
      %sign3A_114 = arith.cmpi sgt, %scan3A_113, %sign3A : i32
      %sign3A_115 = arith.extui %sign3A_114 : i1 to i32
      %sign3A_116 = arith.constant 0 : i32
      %sign3A_117 = arith.cmpi slt, %scan3A_113, %sign3A_116 : i32
      %sign3A_118 = arith.extui %sign3A_117 : i1 to i32
      %sign3A_119 = arith.subi %sign3A_115, %sign3A_118 : i32
      %sign3A_120 = arith.constant 0 : i32
      %sign3A_121 = arith.cmpi sgt, %jit3A, %sign3A_120 : i32
      %sign3A_122 = arith.extui %sign3A_121 : i1 to i32
      %sign3A_123 = arith.constant 0 : i32
      %sign3A_124 = arith.cmpi slt, %jit3A, %sign3A_123 : i32
      %sign3A_125 = arith.extui %sign3A_124 : i1 to i32
      %sign3A_126 = arith.subi %sign3A_122, %sign3A_125 : i32
      %ne3A = arith.cmpi ne, %sign3A_119, %sign3A_126 : i32
      %rem3A = arith.remsi %scan3A_113, %jit3A : i32
      %ne3A_127 = arith.constant 0 : i32
      %ne3A_128 = arith.cmpi ne, %rem3A, %ne3A_127 : i32
      %and3A = arith.andi %ne3A, %ne3A_128 : i1
      %sub3A = arith.constant 1 : i32
      %sub3A_129 = arith.subi %div3A, %sub3A : i32
      %select_n3A = arith.select %and3A, %sub3A_129, %div3A : i32
      %jit3A_130 = arith.constant 8 : i32
      %eq3A = arith.constant 0 : i32
      %eq3A_131 = arith.cmpi eq, %jit3A_130, %eq3A : i32
      %jit3A_132 = arith.constant 1 : i32
      %select_n3A_133 = arith.select %eq3A_131, %jit3A_132, %jit3A_130 : i32
      %rem3A_134 = arith.remsi %scan3A_113, %select_n3A_133 : i32
      %ne3A_135 = arith.constant 0 : i32
      %ne3A_136 = arith.cmpi ne, %rem3A_134, %ne3A_135 : i32
      %lt3A = arith.constant 0 : i32
      %lt3A_137 = arith.cmpi slt, %rem3A_134, %lt3A : i32
      %lt3A_138 = arith.constant 0 : i32
      %lt3A_139 = arith.cmpi slt, %select_n3A_133, %lt3A_138 : i32
      %ne3A_140 = arith.xori %lt3A_137, %lt3A_139 : i1
      %and3A_141 = arith.andi %ne3A_140, %ne3A_136 : i1
      %add3A_142 = arith.addi %rem3A_134, %select_n3A_133 : i32
      %select_n3A_143 = arith.select %and3A_141, %add3A_142, %rem3A_134 : i32
      %mul3A_144 = arith.constant 16 : i32
      %mul3A_145 = arith.muli %select_n3A_143, %mul3A_144 : i32
      %swap3A = arith.index_cast %select_n3A : i32 to index
      %swap3A_146 = arith.index_cast %mul3A_145 : i32 to index
      %swap3A_147 = tpu.vector_load %arg11[%swap3A, %swap3A_146] {strides = array<i32>} : memref<80x128xf32, #tpu.memory_space<vmem>>, vector<1x16xf32>,
      %swap3A_148 = vector.shape_cast %swap3A_147 : vector<1x16xf32> to vector<16xf32>
      %swap3A_149 = vector.shape_cast %broadcast_in_dim3A_1 : vector<16xf32> to vector<1x16xf32>
      tpu.vector_store %arg11[%swap3A, %swap3A_146], %swap3A_149 {strides = array<i32>} : memref<80x128xf32, #tpu.memory_space<vmem>>, vector<1x16xf32>,
    }
    %scan3A_8 = arith.constant 640 : i32
    %mul3A_9 = arith.constant 640 : i32
    %mul3A_10 = arith.muli %arg1, %mul3A_9 : i32
    %add3A_11 = arith.constant 0 : i32
    %add3A_12 = arith.addi %mul3A_10, %add3A_11 : i32
    "tpu.region"() ({
      %run_scoped3A = tpu.sem_alloc : memref<!tpu.dma_semaphore, #tpu.memory_space<semaphore_mem>>
      %dma_start3A_113 = arith.constant 0 : i32
      %dma_start3A_114 = tpu.memref_slice %arg14[%add3A_12, %dma_start3A_113] : memref<10240x128xf32, #tpu.memory_space<vmem_shared>> -> memref<80x128xf32, #tpu.memory_space<vmem_shared>>
      %dma_start3A_115 = arith.constant 0 : i32
      %dma_start3A_116 = tpu.memref_slice %arg14[%add3A_12, %dma_start3A_115] : memref<10240x128xf32, #tpu.memory_space<vmem_shared>> -> memref<80x128xf32, #tpu.memory_space<vmem_shared>>
      tpu.enqueue_dma source(%arg11 : memref<80x128xf32, #tpu.memory_space<vmem>>) target(%dma_start3A_116 : memref<80x128xf32, #tpu.memory_space<vmem_shared>>) target_semaphore(%run_scoped3A : memref<!tpu.dma_semaphore, #tpu.memory_space<semaphore_mem>>)
      %dma_wait3A_117 = arith.constant 0 : i32
      %dma_wait3A_118 = tpu.memref_slice %arg14[%add3A_12, %dma_wait3A_117] : memref<10240x128xf32, #tpu.memory_space<vmem_shared>> -> memref<80x128xf32, #tpu.memory_space<vmem_shared>>
      %dma_wait3A_119 = arith.constant 0 : i32
      %dma_wait3A_120 = tpu.memref_slice %arg14[%add3A_12, %dma_wait3A_119] : memref<10240x128xf32, #tpu.memory_space<vmem_shared>> -> memref<80x128xf32, #tpu.memory_space<vmem_shared>>
      tpu.wait_dma2 semaphore(%run_scoped3A : memref<!tpu.dma_semaphore, #tpu.memory_space<semaphore_mem>>) src(%arg11 : memref<80x128xf32, #tpu.memory_space<vmem>>) dst(%dma_wait3A_120 : memref<80x128xf32, #tpu.memory_space<vmem_shared>>)
      tpu.yield
    }) : () -> ()
    %add3A_13 = arith.constant 80 : i32
    %add3A_14 = arith.addi %mul3A_10, %add3A_13 : i32
    "tpu.region"() ({
      %run_scoped3A = tpu.sem_alloc : memref<!tpu.dma_semaphore, #tpu.memory_space<semaphore_mem>>
      %dma_start3A_113 = arith.constant 0 : i32
      %dma_start3A_114 = tpu.memref_slice %arg14[%add3A_14, %dma_start3A_113] : memref<10240x128xf32, #tpu.memory_space<vmem_shared>> -> memref<80x128xf32, #tpu.memory_space<vmem_shared>>
      %dma_start3A_115 = arith.constant 0 : i32
      %dma_start3A_116 = tpu.memref_slice %arg14[%add3A_14, %dma_start3A_115] : memref<10240x128xf32, #tpu.memory_space<vmem_shared>> -> memref<80x128xf32, #tpu.memory_space<vmem_shared>>
      tpu.enqueue_dma source(%arg11 : memref<80x128xf32, #tpu.memory_space<vmem>>) target(%dma_start3A_116 : memref<80x128xf32, #tpu.memory_space<vmem_shared>>) target_semaphore(%run_scoped3A : memref<!tpu.dma_semaphore, #tpu.memory_space<semaphore_mem>>)
      %dma_wait3A_117 = arith.constant 0 : i32
      %dma_wait3A_118 = tpu.memref_slice %arg14[%add3A_14, %dma_wait3A_117] : memref<10240x128xf32, #tpu.memory_space<vmem_shared>> -> memref<80x128xf32, #tpu.memory_space<vmem_shared>>
      %dma_wait3A_119 = arith.constant 0 : i32
      %dma_wait3A_120 = tpu.memref_slice %arg14[%add3A_14, %dma_wait3A_119] : memref<10240x128xf32, #tpu.memory_space<vmem_shared>> -> memref<80x128xf32, #tpu.memory_space<vmem_shared>>
      tpu.wait_dma2 semaphore(%run_scoped3A : memref<!tpu.dma_semaphore, #tpu.memory_space<semaphore_mem>>) src(%arg11 : memref<80x128xf32, #tpu.memory_space<vmem>>) dst(%dma_wait3A_120 : memref<80x128xf32, #tpu.memory_space<vmem_shared>>)
      tpu.yield
    }) : () -> ()
    %add3A_15 = arith.constant 160 : i32
    %add3A_16 = arith.addi %mul3A_10, %add3A_15 : i32
    "tpu.region"() ({
      %run_scoped3A = tpu.sem_alloc : memref<!tpu.dma_semaphore, #tpu.memory_space<semaphore_mem>>
      %dma_start3A_113 = arith.constant 0 : i32
      %dma_start3A_114 = tpu.memref_slice %arg14[%add3A_16, %dma_start3A_113] : memref<10240x128xf32, #tpu.memory_space<vmem_shared>> -> memref<80x128xf32, #tpu.memory_space<vmem_shared>>
      %dma_start3A_115 = arith.constant 0 : i32
      %dma_start3A_116 = tpu.memref_slice %arg14[%add3A_16, %dma_start3A_115] : memref<10240x128xf32, #tpu.memory_space<vmem_shared>> -> memref<80x128xf32, #tpu.memory_space<vmem_shared>>
      tpu.enqueue_dma source(%arg11 : memref<80x128xf32, #tpu.memory_space<vmem>>) target(%dma_start3A_116 : memref<80x128xf32, #tpu.memory_space<vmem_shared>>) target_semaphore(%run_scoped3A : memref<!tpu.dma_semaphore, #tpu.memory_space<semaphore_mem>>)
      %dma_wait3A_117 = arith.constant 0 : i32
      %dma_wait3A_118 = tpu.memref_slice %arg14[%add3A_16, %dma_wait3A_117] : memref<10240x128xf32, #tpu.memory_space<vmem_shared>> -> memref<80x128xf32, #tpu.memory_space<vmem_shared>>
      %dma_wait3A_119 = arith.constant 0 : i32
      %dma_wait3A_120 = tpu.memref_slice %arg14[%add3A_16, %dma_wait3A_119] : memref<10240x128xf32, #tpu.memory_space<vmem_shared>> -> memref<80x128xf32, #tpu.memory_space<vmem_shared>>
      tpu.wait_dma2 semaphore(%run_scoped3A : memref<!tpu.dma_semaphore, #tpu.memory_space<semaphore_mem>>) src(%arg11 : memref<80x128xf32, #tpu.memory_space<vmem>>) dst(%dma_wait3A_120 : memref<80x128xf32, #tpu.memory_space<vmem_shared>>)
      tpu.yield
    }) : () -> ()
    %add3A_17 = arith.constant 240 : i32
    %add3A_18 = arith.addi %mul3A_10, %add3A_17 : i32
    "tpu.region"() ({
      %run_scoped3A = tpu.sem_alloc : memref<!tpu.dma_semaphore, #tpu.memory_space<semaphore_mem>>
      %dma_start3A_113 = arith.constant 0 : i32
      %dma_start3A_114 = tpu.memref_slice %arg14[%add3A_18, %dma_start3A_113] : memref<10240x128xf32, #tpu.memory_space<vmem_shared>> -> memref<80x128xf32, #tpu.memory_space<vmem_shared>>
      %dma_start3A_115 = arith.constant 0 : i32
      %dma_start3A_116 = tpu.memref_slice %arg14[%add3A_18, %dma_start3A_115] : memref<10240x128xf32, #tpu.memory_space<vmem_shared>> -> memref<80x128xf32, #tpu.memory_space<vmem_shared>>
      tpu.enqueue_dma source(%arg11 : memref<80x128xf32, #tpu.memory_space<vmem>>) target(%dma_start3A_116 : memref<80x128xf32, #tpu.memory_space<vmem_shared>>) target_semaphore(%run_scoped3A : memref<!tpu.dma_semaphore, #tpu.memory_space<semaphore_mem>>)
      %dma_wait3A_117 = arith.constant 0 : i32
      %dma_wait3A_118 = tpu.memref_slice %arg14[%add3A_18, %dma_wait3A_117] : memref<10240x128xf32, #tpu.memory_space<vmem_shared>> -> memref<80x128xf32, #tpu.memory_space<vmem_shared>>
      %dma_wait3A_119 = arith.constant 0 : i32
      %dma_wait3A_120 = tpu.memref_slice %arg14[%add3A_18, %dma_wait3A_119] : memref<10240x128xf32, #tpu.memory_space<vmem_shared>> -> memref<80x128xf32, #tpu.memory_space<vmem_shared>>
      tpu.wait_dma2 semaphore(%run_scoped3A : memref<!tpu.dma_semaphore, #tpu.memory_space<semaphore_mem>>) src(%arg11 : memref<80x128xf32, #tpu.memory_space<vmem>>) dst(%dma_wait3A_120 : memref<80x128xf32, #tpu.memory_space<vmem_shared>>)
      tpu.yield
    }) : () -> ()
    %add3A_19 = arith.constant 320 : i32
    %add3A_20 = arith.addi %mul3A_10, %add3A_19 : i32
    "tpu.region"() ({
      %run_scoped3A = tpu.sem_alloc : memref<!tpu.dma_semaphore, #tpu.memory_space<semaphore_mem>>
      %dma_start3A_113 = arith.constant 0 : i32
      %dma_start3A_114 = tpu.memref_slice %arg14[%add3A_20, %dma_start3A_113] : memref<10240x128xf32, #tpu.memory_space<vmem_shared>> -> memref<80x128xf32, #tpu.memory_space<vmem_shared>>
      %dma_start3A_115 = arith.constant 0 : i32
      %dma_start3A_116 = tpu.memref_slice %arg14[%add3A_20, %dma_start3A_115] : memref<10240x128xf32, #tpu.memory_space<vmem_shared>> -> memref<80x128xf32, #tpu.memory_space<vmem_shared>>
      tpu.enqueue_dma source(%arg11 : memref<80x128xf32, #tpu.memory_space<vmem>>) target(%dma_start3A_116 : memref<80x128xf32, #tpu.memory_space<vmem_shared>>) target_semaphore(%run_scoped3A : memref<!tpu.dma_semaphore, #tpu.memory_space<semaphore_mem>>)
      %dma_wait3A_117 = arith.constant 0 : i32
      %dma_wait3A_118 = tpu.memref_slice %arg14[%add3A_20, %dma_wait3A_117] : memref<10240x128xf32, #tpu.memory_space<vmem_shared>> -> memref<80x128xf32, #tpu.memory_space<vmem_shared>>
      %dma_wait3A_119 = arith.constant 0 : i32
      %dma_wait3A_120 = tpu.memref_slice %arg14[%add3A_20, %dma_wait3A_119] : memref<10240x128xf32, #tpu.memory_space<vmem_shared>> -> memref<80x128xf32, #tpu.memory_space<vmem_shared>>
      tpu.wait_dma2 semaphore(%run_scoped3A : memref<!tpu.dma_semaphore, #tpu.memory_space<semaphore_mem>>) src(%arg11 : memref<80x128xf32, #tpu.memory_space<vmem>>) dst(%dma_wait3A_120 : memref<80x128xf32, #tpu.memory_space<vmem_shared>>)
      tpu.yield
    }) : () -> ()
    %add3A_21 = arith.constant 400 : i32
    %add3A_22 = arith.addi %mul3A_10, %add3A_21 : i32
    "tpu.region"() ({
      %run_scoped3A = tpu.sem_alloc : memref<!tpu.dma_semaphore, #tpu.memory_space<semaphore_mem>>
      %dma_start3A_113 = arith.constant 0 : i32
      %dma_start3A_114 = tpu.memref_slice %arg14[%add3A_22, %dma_start3A_113] : memref<10240x128xf32, #tpu.memory_space<vmem_shared>> -> memref<80x128xf32, #tpu.memory_space<vmem_shared>>
      %dma_start3A_115 = arith.constant 0 : i32
      %dma_start3A_116 = tpu.memref_slice %arg14[%add3A_22, %dma_start3A_115] : memref<10240x128xf32, #tpu.memory_space<vmem_shared>> -> memref<80x128xf32, #tpu.memory_space<vmem_shared>>
      tpu.enqueue_dma source(%arg11 : memref<80x128xf32, #tpu.memory_space<vmem>>) target(%dma_start3A_116 : memref<80x128xf32, #tpu.memory_space<vmem_shared>>) target_semaphore(%run_scoped3A : memref<!tpu.dma_semaphore, #tpu.memory_space<semaphore_mem>>)
      %dma_wait3A_117 = arith.constant 0 : i32
      %dma_wait3A_118 = tpu.memref_slice %arg14[%add3A_22, %dma_wait3A_117] : memref<10240x128xf32, #tpu.memory_space<vmem_shared>> -> memref<80x128xf32, #tpu.memory_space<vmem_shared>>
      %dma_wait3A_119 = arith.constant 0 : i32
      %dma_wait3A_120 = tpu.memref_slice %arg14[%add3A_22, %dma_wait3A_119] : memref<10240x128xf32, #tpu.memory_space<vmem_shared>> -> memref<80x128xf32, #tpu.memory_space<vmem_shared>>
      tpu.wait_dma2 semaphore(%run_scoped3A : memref<!tpu.dma_semaphore, #tpu.memory_space<semaphore_mem>>) src(%arg11 : memref<80x128xf32, #tpu.memory_space<vmem>>) dst(%dma_wait3A_120 : memref<80x128xf32, #tpu.memory_space<vmem_shared>>)
      tpu.yield
    }) : () -> ()
    %add3A_23 = arith.constant 480 : i32
    %add3A_24 = arith.addi %mul3A_10, %add3A_23 : i32
    "tpu.region"() ({
      %run_scoped3A = tpu.sem_alloc : memref<!tpu.dma_semaphore, #tpu.memory_space<semaphore_mem>>
      %dma_start3A_113 = arith.constant 0 : i32
      %dma_start3A_114 = tpu.memref_slice %arg14[%add3A_24, %dma_start3A_113] : memref<10240x128xf32, #tpu.memory_space<vmem_shared>> -> memref<80x128xf32, #tpu.memory_space<vmem_shared>>
      %dma_start3A_115 = arith.constant 0 : i32
      %dma_start3A_116 = tpu.memref_slice %arg14[%add3A_24, %dma_start3A_115] : memref<10240x128xf32, #tpu.memory_space<vmem_shared>> -> memref<80x128xf32, #tpu.memory_space<vmem_shared>>
      tpu.enqueue_dma source(%arg11 : memref<80x128xf32, #tpu.memory_space<vmem>>) target(%dma_start3A_116 : memref<80x128xf32, #tpu.memory_space<vmem_shared>>) target_semaphore(%run_scoped3A : memref<!tpu.dma_semaphore, #tpu.memory_space<semaphore_mem>>)
      %dma_wait3A_117 = arith.constant 0 : i32
      %dma_wait3A_118 = tpu.memref_slice %arg14[%add3A_24, %dma_wait3A_117] : memref<10240x128xf32, #tpu.memory_space<vmem_shared>> -> memref<80x128xf32, #tpu.memory_space<vmem_shared>>
      %dma_wait3A_119 = arith.constant 0 : i32
      %dma_wait3A_120 = tpu.memref_slice %arg14[%add3A_24, %dma_wait3A_119] : memref<10240x128xf32, #tpu.memory_space<vmem_shared>> -> memref<80x128xf32, #tpu.memory_space<vmem_shared>>
      tpu.wait_dma2 semaphore(%run_scoped3A : memref<!tpu.dma_semaphore, #tpu.memory_space<semaphore_mem>>) src(%arg11 : memref<80x128xf32, #tpu.memory_space<vmem>>) dst(%dma_wait3A_120 : memref<80x128xf32, #tpu.memory_space<vmem_shared>>)
      tpu.yield
    }) : () -> ()
    %add3A_25 = arith.constant 560 : i32
    %add3A_26 = arith.addi %mul3A_10, %add3A_25 : i32
    "tpu.region"() ({
      %run_scoped3A = tpu.sem_alloc : memref<!tpu.dma_semaphore, #tpu.memory_space<semaphore_mem>>
      %dma_start3A_113 = arith.constant 0 : i32
      %dma_start3A_114 = tpu.memref_slice %arg14[%add3A_26, %dma_start3A_113] : memref<10240x128xf32, #tpu.memory_space<vmem_shared>> -> memref<80x128xf32, #tpu.memory_space<vmem_shared>>
      %dma_start3A_115 = arith.constant 0 : i32
      %dma_start3A_116 = tpu.memref_slice %arg14[%add3A_26, %dma_start3A_115] : memref<10240x128xf32, #tpu.memory_space<vmem_shared>> -> memref<80x128xf32, #tpu.memory_space<vmem_shared>>
      tpu.enqueue_dma source(%arg11 : memref<80x128xf32, #tpu.memory_space<vmem>>) target(%dma_start3A_116 : memref<80x128xf32, #tpu.memory_space<vmem_shared>>) target_semaphore(%run_scoped3A : memref<!tpu.dma_semaphore, #tpu.memory_space<semaphore_mem>>)
      %dma_wait3A_117 = arith.constant 0 : i32
      %dma_wait3A_118 = tpu.memref_slice %arg14[%add3A_26, %dma_wait3A_117] : memref<10240x128xf32, #tpu.memory_space<vmem_shared>> -> memref<80x128xf32, #tpu.memory_space<vmem_shared>>
      %dma_wait3A_119 = arith.constant 0 : i32
      %dma_wait3A_120 = tpu.memref_slice %arg14[%add3A_26, %dma_wait3A_119] : memref<10240x128xf32, #tpu.memory_space<vmem_shared>> -> memref<80x128xf32, #tpu.memory_space<vmem_shared>>
      tpu.wait_dma2 semaphore(%run_scoped3A : memref<!tpu.dma_semaphore, #tpu.memory_space<semaphore_mem>>) src(%arg11 : memref<80x128xf32, #tpu.memory_space<vmem>>) dst(%dma_wait3A_120 : memref<80x128xf32, #tpu.memory_space<vmem_shared>>)
      tpu.yield
    }) : () -> ()
    %dma_wait3A = tpu.memref_slice %arg3[%mul3A_3] : memref<320000xi32, #tpu.memory_space<hbm>> -> memref<10000xi32, #tpu.memory_space<hbm>>
    %dma_wait3A_27 = tpu.memref_slice %arg3[%mul3A_3] : memref<320000xi32, #tpu.memory_space<hbm>> -> memref<10000xi32, #tpu.memory_space<hbm>>
    tpu.wait_dma2 semaphore(%arg15 : memref<!tpu.dma_semaphore, #tpu.memory_space<semaphore_mem>>) src(%dma_wait3A_27 : memref<10000xi32, #tpu.memory_space<hbm>>) dst(%arg7 : memref<10000xi32, #tpu.memory_space<vmem>>)
    %barrier3A = arith.constant 0 : index
    tpu.barrier barrier_id(%barrier3A)
    %broadcast_in_dim3A_28 = arith.constant 1.000000e+00 : f32
    %broadcast_in_dim3A_29 = vector.broadcast %broadcast_in_dim3A_28 : f32 to vector<16xf32>
    %scan3A_30 = arith.constant 0 : i32
    %scan3A_31 = arith.constant 640 : i32
    %scan3A_32 = arith.addi %scan3A_30, %scan3A_31 : i32
    %scan3A_33 = arith.constant 1 : i32
    scf.for %scan3A_113 = %scan3A_30 to %scan3A_32 step %scan3A_33  : i32 {
      %jit3A = arith.constant 8 : i32
      %div3A = arith.divsi %scan3A_113, %jit3A : i32
      %sign3A = arith.constant 0 : i32
      %sign3A_114 = arith.cmpi sgt, %scan3A_113, %sign3A : i32
      %sign3A_115 = arith.extui %sign3A_114 : i1 to i32
      %sign3A_116 = arith.constant 0 : i32
      %sign3A_117 = arith.cmpi slt, %scan3A_113, %sign3A_116 : i32
      %sign3A_118 = arith.extui %sign3A_117 : i1 to i32
      %sign3A_119 = arith.subi %sign3A_115, %sign3A_118 : i32
      %sign3A_120 = arith.constant 0 : i32
      %sign3A_121 = arith.cmpi sgt, %jit3A, %sign3A_120 : i32
      %sign3A_122 = arith.extui %sign3A_121 : i1 to i32
      %sign3A_123 = arith.constant 0 : i32
      %sign3A_124 = arith.cmpi slt, %jit3A, %sign3A_123 : i32
      %sign3A_125 = arith.extui %sign3A_124 : i1 to i32
      %sign3A_126 = arith.subi %sign3A_122, %sign3A_125 : i32
      %ne3A = arith.cmpi ne, %sign3A_119, %sign3A_126 : i32
      %rem3A = arith.remsi %scan3A_113, %jit3A : i32
      %ne3A_127 = arith.constant 0 : i32
      %ne3A_128 = arith.cmpi ne, %rem3A, %ne3A_127 : i32
      %and3A = arith.andi %ne3A, %ne3A_128 : i1
      %sub3A = arith.constant 1 : i32
      %sub3A_129 = arith.subi %div3A, %sub3A : i32
      %select_n3A = arith.select %and3A, %sub3A_129, %div3A : i32
      %jit3A_130 = arith.constant 8 : i32
      %eq3A = arith.constant 0 : i32
      %eq3A_131 = arith.cmpi eq, %jit3A_130, %eq3A : i32
      %jit3A_132 = arith.constant 1 : i32
      %select_n3A_133 = arith.select %eq3A_131, %jit3A_132, %jit3A_130 : i32
      %rem3A_134 = arith.remsi %scan3A_113, %select_n3A_133 : i32
      %ne3A_135 = arith.constant 0 : i32
      %ne3A_136 = arith.cmpi ne, %rem3A_134, %ne3A_135 : i32
      %lt3A = arith.constant 0 : i32
      %lt3A_137 = arith.cmpi slt, %rem3A_134, %lt3A : i32
      %lt3A_138 = arith.constant 0 : i32
      %lt3A_139 = arith.cmpi slt, %select_n3A_133, %lt3A_138 : i32
      %ne3A_140 = arith.xori %lt3A_137, %lt3A_139 : i1
      %and3A_141 = arith.andi %ne3A_140, %ne3A_136 : i1
      %add3A_142 = arith.addi %rem3A_134, %select_n3A_133 : i32
      %select_n3A_143 = arith.select %and3A_141, %add3A_142, %rem3A_134 : i32
      %mul3A_144 = arith.constant 16 : i32
      %mul3A_145 = arith.muli %select_n3A_143, %mul3A_144 : i32
      %swap3A = arith.index_cast %select_n3A : i32 to index
      %swap3A_146 = arith.index_cast %mul3A_145 : i32 to index
      %swap3A_147 = tpu.vector_load %arg11[%swap3A, %swap3A_146] {strides = array<i32>} : memref<80x128xf32, #tpu.memory_space<vmem>>, vector<1x16xf32>,
      %swap3A_148 = vector.shape_cast %swap3A_147 : vector<1x16xf32> to vector<16xf32>
      %swap3A_149 = vector.shape_cast %broadcast_in_dim3A_29 : vector<16xf32> to vector<1x16xf32>
      tpu.vector_store %arg11[%swap3A, %swap3A_146], %swap3A_149 {strides = array<i32>} : memref<80x128xf32, #tpu.memory_space<vmem>>, vector<1x16xf32>,
    }
    %scan3A_34 = arith.constant 640 : i32
    %add3A_35 = arith.constant 0 : i32
    %add3A_36 = arith.addi %mul3A_3, %add3A_35 : i32
    %dma_start3A_37 = tpu.memref_slice %arg4[%add3A_36] : memref<320000xi32, #tpu.memory_space<hbm>> -> memref<80xi32, #tpu.memory_space<hbm>>
    %dma_start3A_38 = tpu.memref_slice %arg4[%add3A_36] : memref<320000xi32, #tpu.memory_space<hbm>> -> memref<80xi32, #tpu.memory_space<hbm>>
    tpu.enqueue_dma source(%dma_start3A_38 : memref<80xi32, #tpu.memory_space<hbm>>) target(%arg8 : memref<80xi32, #tpu.memory_space<vmem>>) target_semaphore(%arg22 : memref<!tpu.dma_semaphore, #tpu.memory_space<semaphore_mem>>)
    %add3A_39 = arith.constant 80 : i32
    %add3A_40 = arith.addi %mul3A_3, %add3A_39 : i32
    %dma_start3A_41 = tpu.memref_slice %arg4[%add3A_40] : memref<320000xi32, #tpu.memory_space<hbm>> -> memref<80xi32, #tpu.memory_space<hbm>>
    %dma_start3A_42 = tpu.memref_slice %arg4[%add3A_40] : memref<320000xi32, #tpu.memory_space<hbm>> -> memref<80xi32, #tpu.memory_space<hbm>>
    tpu.enqueue_dma source(%dma_start3A_42 : memref<80xi32, #tpu.memory_space<hbm>>) target(%arg9 : memref<80xi32, #tpu.memory_space<vmem>>) target_semaphore(%arg23 : memref<!tpu.dma_semaphore, #tpu.memory_space<semaphore_mem>>)
    %scan3A_43 = arith.constant 0 : i32
    %scan3A_44 = arith.constant 42 : i32
    %scan3A_45 = arith.addi %scan3A_43, %scan3A_44 : i32
    %scan3A_46 = arith.constant 1 : i32
    scf.for %scan3A_113 = %scan3A_43 to %scan3A_45 step %scan3A_46  : i32 {
      %mul3A_114 = arith.constant 3 : i32
      %mul3A_115 = arith.muli %scan3A_113, %mul3A_114 : i32
      %add3A_116 = arith.constant 0 : i32
      %add3A_117 = arith.addi %mul3A_115, %add3A_116 : i32
      %lt3A = arith.constant 125 : i32
      %lt3A_118 = arith.cmpi slt, %add3A_117, %lt3A : i32
      %convert_element_type3A = arith.extui %lt3A_118 : i1 to i32
      %cond3A = arith.constant 0 : i32
      %cond3A_119 = arith.cmpi ne, %convert_element_type3A, %cond3A : i32
      scf.if %cond3A_119 {
        %mul3A_138 = arith.constant 80 : i32
        %mul3A_139 = arith.muli %add3A_117, %mul3A_138 : i32
        %add3A_140 = arith.addi %mul3A_3, %mul3A_139 : i32
        %dma_wait3A_141 = tpu.memref_slice %arg4[%add3A_140] : memref<320000xi32, #tpu.memory_space<hbm>> -> memref<80xi32, #tpu.memory_space<hbm>>
        %dma_wait3A_142 = tpu.memref_slice %arg4[%add3A_140] : memref<320000xi32, #tpu.memory_space<hbm>> -> memref<80xi32, #tpu.memory_space<hbm>>
        tpu.wait_dma2 semaphore(%arg22 : memref<!tpu.dma_semaphore, #tpu.memory_space<semaphore_mem>>) src(%dma_wait3A_142 : memref<80xi32, #tpu.memory_space<hbm>>) dst(%arg8 : memref<80xi32, #tpu.memory_space<vmem>>)
        %dma_start3A_143 = arith.constant 0 : i32
        %dma_start3A_144 = arith.constant 0 : i32
        %dma_start3A_145 = tpu.memref_slice %arg14[%dma_start3A_143, %dma_start3A_144] : memref<10240x128xf32, #tpu.memory_space<vmem_shared>> -> memref<10240x128xf32, #tpu.memory_space<vmem_shared>>
        tpu.enqueue_indirect_dma source(%arg11 : memref<80x128xf32, #tpu.memory_space<vmem>>) target(%dma_start3A_145 : memref<10240x128xf32, #tpu.memory_space<vmem_shared>>) offsets(%arg8 : memref<80xi32, #tpu.memory_space<vmem>>) semaphore(%arg19 : memref<!tpu.dma_semaphore, #tpu.memory_space<semaphore_mem>>) {add = true}
        %add3A_146 = arith.constant 2 : i32
        %add3A_147 = arith.addi %add3A_117, %add3A_146 : i32
        %lt3A_148 = arith.constant 125 : i32
        %lt3A_149 = arith.cmpi slt, %add3A_147, %lt3A_148 : i32
        %convert_element_type3A_150 = arith.extui %lt3A_149 : i1 to i32
        %cond3A_151 = arith.constant 0 : i32
        %cond3A_152 = arith.cmpi ne, %convert_element_type3A_150, %cond3A_151 : i32
        scf.if %cond3A_152 {
          %ge3A = arith.constant 1 : i32
          %ge3A_153 = arith.cmpi sge, %add3A_117, %ge3A : i32
          %convert_element_type3A_154 = arith.extui %ge3A_153 : i1 to i32
          %cond3A_155 = arith.constant 0 : i32
          %cond3A_156 = arith.cmpi ne, %convert_element_type3A_154, %cond3A_155 : i32
          scf.if %cond3A_156 {
            %dma_wait3A_164 = arith.constant 0 : i32
            %dma_wait3A_165 = arith.constant 0 : i32
            %dma_wait3A_166 = tpu.memref_slice %arg14[%dma_wait3A_164, %dma_wait3A_165] : memref<10240x128xf32, #tpu.memory_space<vmem_shared>> -> memref<10240x128xf32, #tpu.memory_space<vmem_shared>>
            tpu.wait_indirect_dma semaphore(%arg21 : memref<!tpu.dma_semaphore, #tpu.memory_space<semaphore_mem>>) src(%arg11 : memref<80x128xf32, #tpu.memory_space<vmem>>) dst(%dma_wait3A_166 : memref<10240x128xf32, #tpu.memory_space<vmem_shared>>)
          } else {
          }
          %add3A_157 = arith.constant 2 : i32
          %add3A_158 = arith.addi %add3A_117, %add3A_157 : i32
          %mul3A_159 = arith.constant 80 : i32
          %mul3A_160 = arith.muli %add3A_158, %mul3A_159 : i32
          %add3A_161 = arith.addi %mul3A_3, %mul3A_160 : i32
          %dma_start3A_162 = tpu.memref_slice %arg4[%add3A_161] : memref<320000xi32, #tpu.memory_space<hbm>> -> memref<80xi32, #tpu.memory_space<hbm>>
          %dma_start3A_163 = tpu.memref_slice %arg4[%add3A_161] : memref<320000xi32, #tpu.memory_space<hbm>> -> memref<80xi32, #tpu.memory_space<hbm>>
          tpu.enqueue_dma source(%dma_start3A_163 : memref<80xi32, #tpu.memory_space<hbm>>) target(%arg10 : memref<80xi32, #tpu.memory_space<vmem>>) target_semaphore(%arg24 : memref<!tpu.dma_semaphore, #tpu.memory_space<semaphore_mem>>)
        } else {
        }
      } else {
      }
      %mul3A_120 = arith.constant 3 : i32
      %mul3A_121 = arith.muli %scan3A_113, %mul3A_120 : i32
      %add3A_122 = arith.constant 1 : i32
      %add3A_123 = arith.addi %mul3A_121, %add3A_122 : i32
      %lt3A_124 = arith.constant 125 : i32
      %lt3A_125 = arith.cmpi slt, %add3A_123, %lt3A_124 : i32
      %convert_element_type3A_126 = arith.extui %lt3A_125 : i1 to i32
      %cond3A_127 = arith.constant 0 : i32
      %cond3A_128 = arith.cmpi ne, %convert_element_type3A_126, %cond3A_127 : i32
      scf.if %cond3A_128 {
        %mul3A_138 = arith.constant 80 : i32
        %mul3A_139 = arith.muli %add3A_123, %mul3A_138 : i32
        %add3A_140 = arith.addi %mul3A_3, %mul3A_139 : i32
        %dma_wait3A_141 = tpu.memref_slice %arg4[%add3A_140] : memref<320000xi32, #tpu.memory_space<hbm>> -> memref<80xi32, #tpu.memory_space<hbm>>
        %dma_wait3A_142 = tpu.memref_slice %arg4[%add3A_140] : memref<320000xi32, #tpu.memory_space<hbm>> -> memref<80xi32, #tpu.memory_space<hbm>>
        tpu.wait_dma2 semaphore(%arg23 : memref<!tpu.dma_semaphore, #tpu.memory_space<semaphore_mem>>) src(%dma_wait3A_142 : memref<80xi32, #tpu.memory_space<hbm>>) dst(%arg9 : memref<80xi32, #tpu.memory_space<vmem>>)
        %dma_start3A_143 = arith.constant 0 : i32
        %dma_start3A_144 = arith.constant 0 : i32
        %dma_start3A_145 = tpu.memref_slice %arg14[%dma_start3A_143, %dma_start3A_144] : memref<10240x128xf32, #tpu.memory_space<vmem_shared>> -> memref<10240x128xf32, #tpu.memory_space<vmem_shared>>
        tpu.enqueue_indirect_dma source(%arg11 : memref<80x128xf32, #tpu.memory_space<vmem>>) target(%dma_start3A_145 : memref<10240x128xf32, #tpu.memory_space<vmem_shared>>) offsets(%arg9 : memref<80xi32, #tpu.memory_space<vmem>>) semaphore(%arg20 : memref<!tpu.dma_semaphore, #tpu.memory_space<semaphore_mem>>) {add = true}
        %add3A_146 = arith.constant 2 : i32
        %add3A_147 = arith.addi %add3A_123, %add3A_146 : i32
        %lt3A_148 = arith.constant 125 : i32
        %lt3A_149 = arith.cmpi slt, %add3A_147, %lt3A_148 : i32
        %convert_element_type3A_150 = arith.extui %lt3A_149 : i1 to i32
        %cond3A_151 = arith.constant 0 : i32
        %cond3A_152 = arith.cmpi ne, %convert_element_type3A_150, %cond3A_151 : i32
        scf.if %cond3A_152 {
          %ge3A = arith.constant 1 : i32
          %ge3A_153 = arith.cmpi sge, %add3A_123, %ge3A : i32
          %convert_element_type3A_154 = arith.extui %ge3A_153 : i1 to i32
          %cond3A_155 = arith.constant 0 : i32
          %cond3A_156 = arith.cmpi ne, %convert_element_type3A_154, %cond3A_155 : i32
          scf.if %cond3A_156 {
            %dma_wait3A_164 = arith.constant 0 : i32
            %dma_wait3A_165 = arith.constant 0 : i32
            %dma_wait3A_166 = tpu.memref_slice %arg14[%dma_wait3A_164, %dma_wait3A_165] : memref<10240x128xf32, #tpu.memory_space<vmem_shared>> -> memref<10240x128xf32, #tpu.memory_space<vmem_shared>>
            tpu.wait_indirect_dma semaphore(%arg19 : memref<!tpu.dma_semaphore, #tpu.memory_space<semaphore_mem>>) src(%arg11 : memref<80x128xf32, #tpu.memory_space<vmem>>) dst(%dma_wait3A_166 : memref<10240x128xf32, #tpu.memory_space<vmem_shared>>)
          } else {
          }
          %add3A_157 = arith.constant 2 : i32
          %add3A_158 = arith.addi %add3A_123, %add3A_157 : i32
          %mul3A_159 = arith.constant 80 : i32
          %mul3A_160 = arith.muli %add3A_158, %mul3A_159 : i32
          %add3A_161 = arith.addi %mul3A_3, %mul3A_160 : i32
          %dma_start3A_162 = tpu.memref_slice %arg4[%add3A_161] : memref<320000xi32, #tpu.memory_space<hbm>> -> memref<80xi32, #tpu.memory_space<hbm>>
          %dma_start3A_163 = tpu.memref_slice %arg4[%add3A_161] : memref<320000xi32, #tpu.memory_space<hbm>> -> memref<80xi32, #tpu.memory_space<hbm>>
          tpu.enqueue_dma source(%dma_start3A_163 : memref<80xi32, #tpu.memory_space<hbm>>) target(%arg8 : memref<80xi32, #tpu.memory_space<vmem>>) target_semaphore(%arg22 : memref<!tpu.dma_semaphore, #tpu.memory_space<semaphore_mem>>)
        } else {
        }
      } else {
      }
      %mul3A_129 = arith.constant 3 : i32
      %mul3A_130 = arith.muli %scan3A_113, %mul3A_129 : i32
      %add3A_131 = arith.constant 2 : i32
      %add3A_132 = arith.addi %mul3A_130, %add3A_131 : i32
      %lt3A_133 = arith.constant 125 : i32
      %lt3A_134 = arith.cmpi slt, %add3A_132, %lt3A_133 : i32
      %convert_element_type3A_135 = arith.extui %lt3A_134 : i1 to i32
      %cond3A_136 = arith.constant 0 : i32
      %cond3A_137 = arith.cmpi ne, %convert_element_type3A_135, %cond3A_136 : i32
      scf.if %cond3A_137 {
        %mul3A_138 = arith.constant 80 : i32
        %mul3A_139 = arith.muli %add3A_132, %mul3A_138 : i32
        %add3A_140 = arith.addi %mul3A_3, %mul3A_139 : i32
        %dma_wait3A_141 = tpu.memref_slice %arg4[%add3A_140] : memref<320000xi32, #tpu.memory_space<hbm>> -> memref<80xi32, #tpu.memory_space<hbm>>
        %dma_wait3A_142 = tpu.memref_slice %arg4[%add3A_140] : memref<320000xi32, #tpu.memory_space<hbm>> -> memref<80xi32, #tpu.memory_space<hbm>>
        tpu.wait_dma2 semaphore(%arg24 : memref<!tpu.dma_semaphore, #tpu.memory_space<semaphore_mem>>) src(%dma_wait3A_142 : memref<80xi32, #tpu.memory_space<hbm>>) dst(%arg10 : memref<80xi32, #tpu.memory_space<vmem>>)
        %dma_start3A_143 = arith.constant 0 : i32
        %dma_start3A_144 = arith.constant 0 : i32
        %dma_start3A_145 = tpu.memref_slice %arg14[%dma_start3A_143, %dma_start3A_144] : memref<10240x128xf32, #tpu.memory_space<vmem_shared>> -> memref<10240x128xf32, #tpu.memory_space<vmem_shared>>
        tpu.enqueue_indirect_dma source(%arg11 : memref<80x128xf32, #tpu.memory_space<vmem>>) target(%dma_start3A_145 : memref<10240x128xf32, #tpu.memory_space<vmem_shared>>) offsets(%arg10 : memref<80xi32, #tpu.memory_space<vmem>>) semaphore(%arg21 : memref<!tpu.dma_semaphore, #tpu.memory_space<semaphore_mem>>) {add = true}
        %add3A_146 = arith.constant 2 : i32
        %add3A_147 = arith.addi %add3A_132, %add3A_146 : i32
        %lt3A_148 = arith.constant 125 : i32
        %lt3A_149 = arith.cmpi slt, %add3A_147, %lt3A_148 : i32
        %convert_element_type3A_150 = arith.extui %lt3A_149 : i1 to i32
        %cond3A_151 = arith.constant 0 : i32
        %cond3A_152 = arith.cmpi ne, %convert_element_type3A_150, %cond3A_151 : i32
        scf.if %cond3A_152 {
          %ge3A = arith.constant 1 : i32
          %ge3A_153 = arith.cmpi sge, %add3A_132, %ge3A : i32
          %convert_element_type3A_154 = arith.extui %ge3A_153 : i1 to i32
          %cond3A_155 = arith.constant 0 : i32
          %cond3A_156 = arith.cmpi ne, %convert_element_type3A_154, %cond3A_155 : i32
          scf.if %cond3A_156 {
            %dma_wait3A_164 = arith.constant 0 : i32
            %dma_wait3A_165 = arith.constant 0 : i32
            %dma_wait3A_166 = tpu.memref_slice %arg14[%dma_wait3A_164, %dma_wait3A_165] : memref<10240x128xf32, #tpu.memory_space<vmem_shared>> -> memref<10240x128xf32, #tpu.memory_space<vmem_shared>>
            tpu.wait_indirect_dma semaphore(%arg20 : memref<!tpu.dma_semaphore, #tpu.memory_space<semaphore_mem>>) src(%arg11 : memref<80x128xf32, #tpu.memory_space<vmem>>) dst(%dma_wait3A_166 : memref<10240x128xf32, #tpu.memory_space<vmem_shared>>)
          } else {
          }
          %add3A_157 = arith.constant 2 : i32
          %add3A_158 = arith.addi %add3A_132, %add3A_157 : i32
          %mul3A_159 = arith.constant 80 : i32
          %mul3A_160 = arith.muli %add3A_158, %mul3A_159 : i32
          %add3A_161 = arith.addi %mul3A_3, %mul3A_160 : i32
          %dma_start3A_162 = tpu.memref_slice %arg4[%add3A_161] : memref<320000xi32, #tpu.memory_space<hbm>> -> memref<80xi32, #tpu.memory_space<hbm>>
          %dma_start3A_163 = tpu.memref_slice %arg4[%add3A_161] : memref<320000xi32, #tpu.memory_space<hbm>> -> memref<80xi32, #tpu.memory_space<hbm>>
          tpu.enqueue_dma source(%dma_start3A_163 : memref<80xi32, #tpu.memory_space<hbm>>) target(%arg9 : memref<80xi32, #tpu.memory_space<vmem>>) target_semaphore(%arg23 : memref<!tpu.dma_semaphore, #tpu.memory_space<semaphore_mem>>)
        } else {
        }
      } else {
      }
    }
    %scan3A_47 = arith.constant 42 : i32
    %dma_wait3A_48 = arith.constant 0 : i32
    %dma_wait3A_49 = arith.constant 0 : i32
    %dma_wait3A_50 = tpu.memref_slice %arg14[%dma_wait3A_48, %dma_wait3A_49] : memref<10240x128xf32, #tpu.memory_space<vmem_shared>> -> memref<10240x128xf32, #tpu.memory_space<vmem_shared>>
    tpu.wait_indirect_dma semaphore(%arg21 : memref<!tpu.dma_semaphore, #tpu.memory_space<semaphore_mem>>) src(%arg11 : memref<80x128xf32, #tpu.memory_space<vmem>>) dst(%dma_wait3A_50 : memref<10240x128xf32, #tpu.memory_space<vmem_shared>>)
    %dma_wait3A_51 = arith.constant 0 : i32
    %dma_wait3A_52 = arith.constant 0 : i32
    %dma_wait3A_53 = tpu.memref_slice %arg14[%dma_wait3A_51, %dma_wait3A_52] : memref<10240x128xf32, #tpu.memory_space<vmem_shared>> -> memref<10240x128xf32, #tpu.memory_space<vmem_shared>>
    tpu.wait_indirect_dma semaphore(%arg19 : memref<!tpu.dma_semaphore, #tpu.memory_space<semaphore_mem>>) src(%arg11 : memref<80x128xf32, #tpu.memory_space<vmem>>) dst(%dma_wait3A_53 : memref<10240x128xf32, #tpu.memory_space<vmem_shared>>)
    %dma_wait3A_54 = arith.constant 0 : i32
    %dma_wait3A_55 = arith.constant 0 : i32
    %dma_wait3A_56 = tpu.memref_slice %arg14[%dma_wait3A_54, %dma_wait3A_55] : memref<10240x128xf32, #tpu.memory_space<vmem_shared>> -> memref<10240x128xf32, #tpu.memory_space<vmem_shared>>
    tpu.wait_indirect_dma semaphore(%arg20 : memref<!tpu.dma_semaphore, #tpu.memory_space<semaphore_mem>>) src(%arg11 : memref<80x128xf32, #tpu.memory_space<vmem>>) dst(%dma_wait3A_56 : memref<10240x128xf32, #tpu.memory_space<vmem_shared>>)
    %barrier3A_57 = arith.constant 0 : index
    tpu.barrier barrier_id(%barrier3A_57)
    "tpu.region"() ({
      %run_scoped3A = tpu.sem_alloc : memref<!tpu.dma_semaphore, #tpu.memory_space<semaphore_mem>>
      %dma_start3A_113 = arith.constant 0 : i32
      %dma_start3A_114 = tpu.memref_slice %arg6[%arg0, %mul3A_10, %dma_start3A_113] : memref<2x10240x128xf32, #tpu.memory_space<hbm>> -> memref<1x640x128xf32, #tpu.memory_space<hbm>>
      %dma_start3A_115 = tpu.memref_squeeze %dma_start3A_114 : memref<1x640x128xf32, #tpu.memory_space<hbm>> -> memref<640x128xf32, #tpu.memory_space<hbm>>
      %dma_start3A_116 = arith.constant 0 : i32
      %dma_start3A_117 = tpu.memref_slice %arg14[%mul3A_10, %dma_start3A_116] : memref<10240x128xf32, #tpu.memory_space<vmem_shared>> -> memref<640x128xf32, #tpu.memory_space<vmem_shared>>
      tpu.enqueue_dma source(%dma_start3A_117 : memref<640x128xf32, #tpu.memory_space<vmem_shared>>) target(%dma_start3A_115 : memref<640x128xf32, #tpu.memory_space<hbm>>) target_semaphore(%run_scoped3A : memref<!tpu.dma_semaphore, #tpu.memory_space<semaphore_mem>>)
      %dma_wait3A_118 = arith.constant 0 : i32
      %dma_wait3A_119 = tpu.memref_slice %arg6[%arg0, %mul3A_10, %dma_wait3A_118] : memref<2x10240x128xf32, #tpu.memory_space<hbm>> -> memref<1x640x128xf32, #tpu.memory_space<hbm>>
      %dma_wait3A_120 = tpu.memref_squeeze %dma_wait3A_119 : memref<1x640x128xf32, #tpu.memory_space<hbm>> -> memref<640x128xf32, #tpu.memory_space<hbm>>
      %dma_wait3A_121 = arith.constant 0 : i32
      %dma_wait3A_122 = tpu.memref_slice %arg14[%mul3A_10, %dma_wait3A_121] : memref<10240x128xf32, #tpu.memory_space<vmem_shared>> -> memref<640x128xf32, #tpu.memory_space<vmem_shared>>
      tpu.wait_dma2 semaphore(%run_scoped3A : memref<!tpu.dma_semaphore, #tpu.memory_space<semaphore_mem>>) src(%dma_wait3A_122 : memref<640x128xf32, #tpu.memory_space<vmem_shared>>) dst(%dma_wait3A_120 : memref<640x128xf32, #tpu.memory_space<hbm>>)
      tpu.yield
    }) : () -> ()
    %scan3A_58 = arith.constant 0 : i32
    %scan3A_59 = arith.constant 640 : i32
    %scan3A_60 = arith.addi %scan3A_58, %scan3A_59 : i32
    %scan3A_61 = arith.constant 1 : i32
    scf.for %scan3A_113 = %scan3A_58 to %scan3A_60 step %scan3A_61  : i32 {
      %jit3A = arith.constant 8 : i32
      %div3A = arith.divsi %scan3A_113, %jit3A : i32
      %sign3A = arith.constant 0 : i32
      %sign3A_114 = arith.cmpi sgt, %scan3A_113, %sign3A : i32
      %sign3A_115 = arith.extui %sign3A_114 : i1 to i32
      %sign3A_116 = arith.constant 0 : i32
      %sign3A_117 = arith.cmpi slt, %scan3A_113, %sign3A_116 : i32
      %sign3A_118 = arith.extui %sign3A_117 : i1 to i32
      %sign3A_119 = arith.subi %sign3A_115, %sign3A_118 : i32
      %sign3A_120 = arith.constant 0 : i32
      %sign3A_121 = arith.cmpi sgt, %jit3A, %sign3A_120 : i32
      %sign3A_122 = arith.extui %sign3A_121 : i1 to i32
      %sign3A_123 = arith.constant 0 : i32
      %sign3A_124 = arith.cmpi slt, %jit3A, %sign3A_123 : i32
      %sign3A_125 = arith.extui %sign3A_124 : i1 to i32
      %sign3A_126 = arith.subi %sign3A_122, %sign3A_125 : i32
      %ne3A = arith.cmpi ne, %sign3A_119, %sign3A_126 : i32
      %rem3A = arith.remsi %scan3A_113, %jit3A : i32
      %ne3A_127 = arith.constant 0 : i32
      %ne3A_128 = arith.cmpi ne, %rem3A, %ne3A_127 : i32
      %and3A = arith.andi %ne3A, %ne3A_128 : i1
      %sub3A = arith.constant 1 : i32
      %sub3A_129 = arith.subi %div3A, %sub3A : i32
      %select_n3A = arith.select %and3A, %sub3A_129, %div3A : i32
      %jit3A_130 = arith.constant 8 : i32
      %eq3A = arith.constant 0 : i32
      %eq3A_131 = arith.cmpi eq, %jit3A_130, %eq3A : i32
      %jit3A_132 = arith.constant 1 : i32
      %select_n3A_133 = arith.select %eq3A_131, %jit3A_132, %jit3A_130 : i32
      %rem3A_134 = arith.remsi %scan3A_113, %select_n3A_133 : i32
      %ne3A_135 = arith.constant 0 : i32
      %ne3A_136 = arith.cmpi ne, %rem3A_134, %ne3A_135 : i32
      %lt3A = arith.constant 0 : i32
      %lt3A_137 = arith.cmpi slt, %rem3A_134, %lt3A : i32
      %lt3A_138 = arith.constant 0 : i32
      %lt3A_139 = arith.cmpi slt, %select_n3A_133, %lt3A_138 : i32
      %ne3A_140 = arith.xori %lt3A_137, %lt3A_139 : i1
      %and3A_141 = arith.andi %ne3A_140, %ne3A_136 : i1
      %add3A_142 = arith.addi %rem3A_134, %select_n3A_133 : i32
      %select_n3A_143 = arith.select %and3A_141, %add3A_142, %rem3A_134 : i32
      %mul3A_144 = arith.constant 16 : i32
      %mul3A_145 = arith.muli %select_n3A_143, %mul3A_144 : i32
      %swap3A = arith.index_cast %select_n3A : i32 to index
      %swap3A_146 = arith.index_cast %mul3A_145 : i32 to index
      %swap3A_147 = tpu.vector_load %arg11[%swap3A, %swap3A_146] {strides = array<i32>} : memref<80x128xf32, #tpu.memory_space<vmem>>, vector<1x16xf32>,
      %swap3A_148 = vector.shape_cast %swap3A_147 : vector<1x16xf32> to vector<16xf32>
      %swap3A_149 = vector.shape_cast %broadcast_in_dim3A_1 : vector<16xf32> to vector<1x16xf32>
      tpu.vector_store %arg11[%swap3A, %swap3A_146], %swap3A_149 {strides = array<i32>} : memref<80x128xf32, #tpu.memory_space<vmem>>, vector<1x16xf32>,
    }
    %scan3A_62 = arith.constant 640 : i32
    %add3A_63 = arith.constant 0 : i32
    %add3A_64 = arith.addi %mul3A_10, %add3A_63 : i32
    "tpu.region"() ({
      %run_scoped3A = tpu.sem_alloc : memref<!tpu.dma_semaphore, #tpu.memory_space<semaphore_mem>>
      %dma_start3A_113 = arith.constant 0 : i32
      %dma_start3A_114 = tpu.memref_slice %arg14[%add3A_64, %dma_start3A_113] : memref<10240x128xf32, #tpu.memory_space<vmem_shared>> -> memref<80x128xf32, #tpu.memory_space<vmem_shared>>
      %dma_start3A_115 = arith.constant 0 : i32
      %dma_start3A_116 = tpu.memref_slice %arg14[%add3A_64, %dma_start3A_115] : memref<10240x128xf32, #tpu.memory_space<vmem_shared>> -> memref<80x128xf32, #tpu.memory_space<vmem_shared>>
      tpu.enqueue_dma source(%arg11 : memref<80x128xf32, #tpu.memory_space<vmem>>) target(%dma_start3A_116 : memref<80x128xf32, #tpu.memory_space<vmem_shared>>) target_semaphore(%run_scoped3A : memref<!tpu.dma_semaphore, #tpu.memory_space<semaphore_mem>>)
      %dma_wait3A_117 = arith.constant 0 : i32
      %dma_wait3A_118 = tpu.memref_slice %arg14[%add3A_64, %dma_wait3A_117] : memref<10240x128xf32, #tpu.memory_space<vmem_shared>> -> memref<80x128xf32, #tpu.memory_space<vmem_shared>>
      %dma_wait3A_119 = arith.constant 0 : i32
      %dma_wait3A_120 = tpu.memref_slice %arg14[%add3A_64, %dma_wait3A_119] : memref<10240x128xf32, #tpu.memory_space<vmem_shared>> -> memref<80x128xf32, #tpu.memory_space<vmem_shared>>
      tpu.wait_dma2 semaphore(%run_scoped3A : memref<!tpu.dma_semaphore, #tpu.memory_space<semaphore_mem>>) src(%arg11 : memref<80x128xf32, #tpu.memory_space<vmem>>) dst(%dma_wait3A_120 : memref<80x128xf32, #tpu.memory_space<vmem_shared>>)
      tpu.yield
    }) : () -> ()
    %add3A_65 = arith.constant 80 : i32
    %add3A_66 = arith.addi %mul3A_10, %add3A_65 : i32
    "tpu.region"() ({
      %run_scoped3A = tpu.sem_alloc : memref<!tpu.dma_semaphore, #tpu.memory_space<semaphore_mem>>
      %dma_start3A_113 = arith.constant 0 : i32
      %dma_start3A_114 = tpu.memref_slice %arg14[%add3A_66, %dma_start3A_113] : memref<10240x128xf32, #tpu.memory_space<vmem_shared>> -> memref<80x128xf32, #tpu.memory_space<vmem_shared>>
      %dma_start3A_115 = arith.constant 0 : i32
      %dma_start3A_116 = tpu.memref_slice %arg14[%add3A_66, %dma_start3A_115] : memref<10240x128xf32, #tpu.memory_space<vmem_shared>> -> memref<80x128xf32, #tpu.memory_space<vmem_shared>>
      tpu.enqueue_dma source(%arg11 : memref<80x128xf32, #tpu.memory_space<vmem>>) target(%dma_start3A_116 : memref<80x128xf32, #tpu.memory_space<vmem_shared>>) target_semaphore(%run_scoped3A : memref<!tpu.dma_semaphore, #tpu.memory_space<semaphore_mem>>)
      %dma_wait3A_117 = arith.constant 0 : i32
      %dma_wait3A_118 = tpu.memref_slice %arg14[%add3A_66, %dma_wait3A_117] : memref<10240x128xf32, #tpu.memory_space<vmem_shared>> -> memref<80x128xf32, #tpu.memory_space<vmem_shared>>
      %dma_wait3A_119 = arith.constant 0 : i32
      %dma_wait3A_120 = tpu.memref_slice %arg14[%add3A_66, %dma_wait3A_119] : memref<10240x128xf32, #tpu.memory_space<vmem_shared>> -> memref<80x128xf32, #tpu.memory_space<vmem_shared>>
      tpu.wait_dma2 semaphore(%run_scoped3A : memref<!tpu.dma_semaphore, #tpu.memory_space<semaphore_mem>>) src(%arg11 : memref<80x128xf32, #tpu.memory_space<vmem>>) dst(%dma_wait3A_120 : memref<80x128xf32, #tpu.memory_space<vmem_shared>>)
      tpu.yield
    }) : () -> ()
    %add3A_67 = arith.constant 160 : i32
    %add3A_68 = arith.addi %mul3A_10, %add3A_67 : i32
    "tpu.region"() ({
      %run_scoped3A = tpu.sem_alloc : memref<!tpu.dma_semaphore, #tpu.memory_space<semaphore_mem>>
      %dma_start3A_113 = arith.constant 0 : i32
      %dma_start3A_114 = tpu.memref_slice %arg14[%add3A_68, %dma_start3A_113] : memref<10240x128xf32, #tpu.memory_space<vmem_shared>> -> memref<80x128xf32, #tpu.memory_space<vmem_shared>>
      %dma_start3A_115 = arith.constant 0 : i32
      %dma_start3A_116 = tpu.memref_slice %arg14[%add3A_68, %dma_start3A_115] : memref<10240x128xf32, #tpu.memory_space<vmem_shared>> -> memref<80x128xf32, #tpu.memory_space<vmem_shared>>
      tpu.enqueue_dma source(%arg11 : memref<80x128xf32, #tpu.memory_space<vmem>>) target(%dma_start3A_116 : memref<80x128xf32, #tpu.memory_space<vmem_shared>>) target_semaphore(%run_scoped3A : memref<!tpu.dma_semaphore, #tpu.memory_space<semaphore_mem>>)
      %dma_wait3A_117 = arith.constant 0 : i32
      %dma_wait3A_118 = tpu.memref_slice %arg14[%add3A_68, %dma_wait3A_117] : memref<10240x128xf32, #tpu.memory_space<vmem_shared>> -> memref<80x128xf32, #tpu.memory_space<vmem_shared>>
      %dma_wait3A_119 = arith.constant 0 : i32
      %dma_wait3A_120 = tpu.memref_slice %arg14[%add3A_68, %dma_wait3A_119] : memref<10240x128xf32, #tpu.memory_space<vmem_shared>> -> memref<80x128xf32, #tpu.memory_space<vmem_shared>>
      tpu.wait_dma2 semaphore(%run_scoped3A : memref<!tpu.dma_semaphore, #tpu.memory_space<semaphore_mem>>) src(%arg11 : memref<80x128xf32, #tpu.memory_space<vmem>>) dst(%dma_wait3A_120 : memref<80x128xf32, #tpu.memory_space<vmem_shared>>)
      tpu.yield
    }) : () -> ()
    %add3A_69 = arith.constant 240 : i32
    %add3A_70 = arith.addi %mul3A_10, %add3A_69 : i32
    "tpu.region"() ({
      %run_scoped3A = tpu.sem_alloc : memref<!tpu.dma_semaphore, #tpu.memory_space<semaphore_mem>>
      %dma_start3A_113 = arith.constant 0 : i32
      %dma_start3A_114 = tpu.memref_slice %arg14[%add3A_70, %dma_start3A_113] : memref<10240x128xf32, #tpu.memory_space<vmem_shared>> -> memref<80x128xf32, #tpu.memory_space<vmem_shared>>
      %dma_start3A_115 = arith.constant 0 : i32
      %dma_start3A_116 = tpu.memref_slice %arg14[%add3A_70, %dma_start3A_115] : memref<10240x128xf32, #tpu.memory_space<vmem_shared>> -> memref<80x128xf32, #tpu.memory_space<vmem_shared>>
      tpu.enqueue_dma source(%arg11 : memref<80x128xf32, #tpu.memory_space<vmem>>) target(%dma_start3A_116 : memref<80x128xf32, #tpu.memory_space<vmem_shared>>) target_semaphore(%run_scoped3A : memref<!tpu.dma_semaphore, #tpu.memory_space<semaphore_mem>>)
      %dma_wait3A_117 = arith.constant 0 : i32
      %dma_wait3A_118 = tpu.memref_slice %arg14[%add3A_70, %dma_wait3A_117] : memref<10240x128xf32, #tpu.memory_space<vmem_shared>> -> memref<80x128xf32, #tpu.memory_space<vmem_shared>>
      %dma_wait3A_119 = arith.constant 0 : i32
      %dma_wait3A_120 = tpu.memref_slice %arg14[%add3A_70, %dma_wait3A_119] : memref<10240x128xf32, #tpu.memory_space<vmem_shared>> -> memref<80x128xf32, #tpu.memory_space<vmem_shared>>
      tpu.wait_dma2 semaphore(%run_scoped3A : memref<!tpu.dma_semaphore, #tpu.memory_space<semaphore_mem>>) src(%arg11 : memref<80x128xf32, #tpu.memory_space<vmem>>) dst(%dma_wait3A_120 : memref<80x128xf32, #tpu.memory_space<vmem_shared>>)
      tpu.yield
    }) : () -> ()
    %add3A_71 = arith.constant 320 : i32
    %add3A_72 = arith.addi %mul3A_10, %add3A_71 : i32
    "tpu.region"() ({
      %run_scoped3A = tpu.sem_alloc : memref<!tpu.dma_semaphore, #tpu.memory_space<semaphore_mem>>
      %dma_start3A_113 = arith.constant 0 : i32
      %dma_start3A_114 = tpu.memref_slice %arg14[%add3A_72, %dma_start3A_113] : memref<10240x128xf32, #tpu.memory_space<vmem_shared>> -> memref<80x128xf32, #tpu.memory_space<vmem_shared>>
      %dma_start3A_115 = arith.constant 0 : i32
      %dma_start3A_116 = tpu.memref_slice %arg14[%add3A_72, %dma_start3A_115] : memref<10240x128xf32, #tpu.memory_space<vmem_shared>> -> memref<80x128xf32, #tpu.memory_space<vmem_shared>>
      tpu.enqueue_dma source(%arg11 : memref<80x128xf32, #tpu.memory_space<vmem>>) target(%dma_start3A_116 : memref<80x128xf32, #tpu.memory_space<vmem_shared>>) target_semaphore(%run_scoped3A : memref<!tpu.dma_semaphore, #tpu.memory_space<semaphore_mem>>)
      %dma_wait3A_117 = arith.constant 0 : i32
      %dma_wait3A_118 = tpu.memref_slice %arg14[%add3A_72, %dma_wait3A_117] : memref<10240x128xf32, #tpu.memory_space<vmem_shared>> -> memref<80x128xf32, #tpu.memory_space<vmem_shared>>
      %dma_wait3A_119 = arith.constant 0 : i32
      %dma_wait3A_120 = tpu.memref_slice %arg14[%add3A_72, %dma_wait3A_119] : memref<10240x128xf32, #tpu.memory_space<vmem_shared>> -> memref<80x128xf32, #tpu.memory_space<vmem_shared>>
      tpu.wait_dma2 semaphore(%run_scoped3A : memref<!tpu.dma_semaphore, #tpu.memory_space<semaphore_mem>>) src(%arg11 : memref<80x128xf32, #tpu.memory_space<vmem>>) dst(%dma_wait3A_120 : memref<80x128xf32, #tpu.memory_space<vmem_shared>>)
      tpu.yield
    }) : () -> ()
    %add3A_73 = arith.constant 400 : i32
    %add3A_74 = arith.addi %mul3A_10, %add3A_73 : i32
    "tpu.region"() ({
      %run_scoped3A = tpu.sem_alloc : memref<!tpu.dma_semaphore, #tpu.memory_space<semaphore_mem>>
      %dma_start3A_113 = arith.constant 0 : i32
      %dma_start3A_114 = tpu.memref_slice %arg14[%add3A_74, %dma_start3A_113] : memref<10240x128xf32, #tpu.memory_space<vmem_shared>> -> memref<80x128xf32, #tpu.memory_space<vmem_shared>>
      %dma_start3A_115 = arith.constant 0 : i32
      %dma_start3A_116 = tpu.memref_slice %arg14[%add3A_74, %dma_start3A_115] : memref<10240x128xf32, #tpu.memory_space<vmem_shared>> -> memref<80x128xf32, #tpu.memory_space<vmem_shared>>
      tpu.enqueue_dma source(%arg11 : memref<80x128xf32, #tpu.memory_space<vmem>>) target(%dma_start3A_116 : memref<80x128xf32, #tpu.memory_space<vmem_shared>>) target_semaphore(%run_scoped3A : memref<!tpu.dma_semaphore, #tpu.memory_space<semaphore_mem>>)
      %dma_wait3A_117 = arith.constant 0 : i32
      %dma_wait3A_118 = tpu.memref_slice %arg14[%add3A_74, %dma_wait3A_117] : memref<10240x128xf32, #tpu.memory_space<vmem_shared>> -> memref<80x128xf32, #tpu.memory_space<vmem_shared>>
      %dma_wait3A_119 = arith.constant 0 : i32
      %dma_wait3A_120 = tpu.memref_slice %arg14[%add3A_74, %dma_wait3A_119] : memref<10240x128xf32, #tpu.memory_space<vmem_shared>> -> memref<80x128xf32, #tpu.memory_space<vmem_shared>>
      tpu.wait_dma2 semaphore(%run_scoped3A : memref<!tpu.dma_semaphore, #tpu.memory_space<semaphore_mem>>) src(%arg11 : memref<80x128xf32, #tpu.memory_space<vmem>>) dst(%dma_wait3A_120 : memref<80x128xf32, #tpu.memory_space<vmem_shared>>)
      tpu.yield
    }) : () -> ()
    %add3A_75 = arith.constant 480 : i32
    %add3A_76 = arith.addi %mul3A_10, %add3A_75 : i32
    "tpu.region"() ({
      %run_scoped3A = tpu.sem_alloc : memref<!tpu.dma_semaphore, #tpu.memory_space<semaphore_mem>>
      %dma_start3A_113 = arith.constant 0 : i32
      %dma_start3A_114 = tpu.memref_slice %arg14[%add3A_76, %dma_start3A_113] : memref<10240x128xf32, #tpu.memory_space<vmem_shared>> -> memref<80x128xf32, #tpu.memory_space<vmem_shared>>
      %dma_start3A_115 = arith.constant 0 : i32
      %dma_start3A_116 = tpu.memref_slice %arg14[%add3A_76, %dma_start3A_115] : memref<10240x128xf32, #tpu.memory_space<vmem_shared>> -> memref<80x128xf32, #tpu.memory_space<vmem_shared>>
      tpu.enqueue_dma source(%arg11 : memref<80x128xf32, #tpu.memory_space<vmem>>) target(%dma_start3A_116 : memref<80x128xf32, #tpu.memory_space<vmem_shared>>) target_semaphore(%run_scoped3A : memref<!tpu.dma_semaphore, #tpu.memory_space<semaphore_mem>>)
      %dma_wait3A_117 = arith.constant 0 : i32
      %dma_wait3A_118 = tpu.memref_slice %arg14[%add3A_76, %dma_wait3A_117] : memref<10240x128xf32, #tpu.memory_space<vmem_shared>> -> memref<80x128xf32, #tpu.memory_space<vmem_shared>>
      %dma_wait3A_119 = arith.constant 0 : i32
      %dma_wait3A_120 = tpu.memref_slice %arg14[%add3A_76, %dma_wait3A_119] : memref<10240x128xf32, #tpu.memory_space<vmem_shared>> -> memref<80x128xf32, #tpu.memory_space<vmem_shared>>
      tpu.wait_dma2 semaphore(%run_scoped3A : memref<!tpu.dma_semaphore, #tpu.memory_space<semaphore_mem>>) src(%arg11 : memref<80x128xf32, #tpu.memory_space<vmem>>) dst(%dma_wait3A_120 : memref<80x128xf32, #tpu.memory_space<vmem_shared>>)
      tpu.yield
    }) : () -> ()
    %add3A_77 = arith.constant 560 : i32
    %add3A_78 = arith.addi %mul3A_10, %add3A_77 : i32
    "tpu.region"() ({
      %run_scoped3A = tpu.sem_alloc : memref<!tpu.dma_semaphore, #tpu.memory_space<semaphore_mem>>
      %dma_start3A_113 = arith.constant 0 : i32
      %dma_start3A_114 = tpu.memref_slice %arg14[%add3A_78, %dma_start3A_113] : memref<10240x128xf32, #tpu.memory_space<vmem_shared>> -> memref<80x128xf32, #tpu.memory_space<vmem_shared>>
      %dma_start3A_115 = arith.constant 0 : i32
      %dma_start3A_116 = tpu.memref_slice %arg14[%add3A_78, %dma_start3A_115] : memref<10240x128xf32, #tpu.memory_space<vmem_shared>> -> memref<80x128xf32, #tpu.memory_space<vmem_shared>>
      tpu.enqueue_dma source(%arg11 : memref<80x128xf32, #tpu.memory_space<vmem>>) target(%dma_start3A_116 : memref<80x128xf32, #tpu.memory_space<vmem_shared>>) target_semaphore(%run_scoped3A : memref<!tpu.dma_semaphore, #tpu.memory_space<semaphore_mem>>)
      %dma_wait3A_117 = arith.constant 0 : i32
      %dma_wait3A_118 = tpu.memref_slice %arg14[%add3A_78, %dma_wait3A_117] : memref<10240x128xf32, #tpu.memory_space<vmem_shared>> -> memref<80x128xf32, #tpu.memory_space<vmem_shared>>
      %dma_wait3A_119 = arith.constant 0 : i32
      %dma_wait3A_120 = tpu.memref_slice %arg14[%add3A_78, %dma_wait3A_119] : memref<10240x128xf32, #tpu.memory_space<vmem_shared>> -> memref<80x128xf32, #tpu.memory_space<vmem_shared>>
      tpu.wait_dma2 semaphore(%run_scoped3A : memref<!tpu.dma_semaphore, #tpu.memory_space<semaphore_mem>>) src(%arg11 : memref<80x128xf32, #tpu.memory_space<vmem>>) dst(%dma_wait3A_120 : memref<80x128xf32, #tpu.memory_space<vmem_shared>>)
      tpu.yield
    }) : () -> ()
    %barrier3A_79 = arith.constant 0 : index
    tpu.barrier barrier_id(%barrier3A_79)
    %add3A_80 = arith.constant 0 : i32
    %add3A_81 = arith.addi %mul3A_3, %add3A_80 : i32
    %dma_start3A_82 = tpu.memref_slice %arg4[%add3A_81] : memref<320000xi32, #tpu.memory_space<hbm>> -> memref<80xi32, #tpu.memory_space<hbm>>
    %dma_start3A_83 = tpu.memref_slice %arg4[%add3A_81] : memref<320000xi32, #tpu.memory_space<hbm>> -> memref<80xi32, #tpu.memory_space<hbm>>
    tpu.enqueue_dma source(%dma_start3A_83 : memref<80xi32, #tpu.memory_space<hbm>>) target(%arg8 : memref<80xi32, #tpu.memory_space<vmem>>) target_semaphore(%arg22 : memref<!tpu.dma_semaphore, #tpu.memory_space<semaphore_mem>>)
    %dma_start3A_84 = arith.constant 0 : i32
    %dma_start3A_85 = tpu.memref_slice %arg7[%dma_start3A_84] : memref<10000xi32, #tpu.memory_space<vmem>> -> memref<80xi32, #tpu.memory_space<vmem>>
    %dma_start3A_86 = arith.constant 0 : i32
    %dma_start3A_87 = arith.constant 0 : i32
    %dma_start3A_88 = tpu.memref_slice %arg2[%dma_start3A_86, %dma_start3A_87] : memref<10000x128xf32, #tpu.memory_space<hbm>> -> memref<10000x128xf32, #tpu.memory_space<hbm>>
    tpu.enqueue_indirect_dma source(%dma_start3A_88 : memref<10000x128xf32, #tpu.memory_space<hbm>>) target(%arg11 : memref<80x128xf32, #tpu.memory_space<vmem>>) offsets(%dma_start3A_85 : memref<80xi32, #tpu.memory_space<vmem>>) semaphore(%arg16 : memref<!tpu.dma_semaphore, #tpu.memory_space<semaphore_mem>>)
    %add3A_89 = arith.constant 80 : i32
    %add3A_90 = arith.addi %mul3A_3, %add3A_89 : i32
    %dma_start3A_91 = tpu.memref_slice %arg4[%add3A_90] : memref<320000xi32, #tpu.memory_space<hbm>> -> memref<80xi32, #tpu.memory_space<hbm>>
    %dma_start3A_92 = tpu.memref_slice %arg4[%add3A_90] : memref<320000xi32, #tpu.memory_space<hbm>> -> memref<80xi32, #tpu.memory_space<hbm>>
    tpu.enqueue_dma source(%dma_start3A_92 : memref<80xi32, #tpu.memory_space<hbm>>) target(%arg9 : memref<80xi32, #tpu.memory_space<vmem>>) target_semaphore(%arg23 : memref<!tpu.dma_semaphore, #tpu.memory_space<semaphore_mem>>)
    %dma_start3A_93 = arith.constant 80 : i32
    %dma_start3A_94 = tpu.memref_slice %arg7[%dma_start3A_93] : memref<10000xi32, #tpu.memory_space<vmem>> -> memref<80xi32, #tpu.memory_space<vmem>>
    %dma_start3A_95 = arith.constant 0 : i32
    %dma_start3A_96 = arith.constant 0 : i32
    %dma_start3A_97 = tpu.memref_slice %arg2[%dma_start3A_95, %dma_start3A_96] : memref<10000x128xf32, #tpu.memory_space<hbm>> -> memref<10000x128xf32, #tpu.memory_space<hbm>>
    tpu.enqueue_indirect_dma source(%dma_start3A_97 : memref<10000x128xf32, #tpu.memory_space<hbm>>) target(%arg12 : memref<80x128xf32, #tpu.memory_space<vmem>>) offsets(%dma_start3A_94 : memref<80xi32, #tpu.memory_space<vmem>>) semaphore(%arg17 : memref<!tpu.dma_semaphore, #tpu.memory_space<semaphore_mem>>)
    %scan3A_98 = arith.constant 0 : i32
    %scan3A_99 = arith.constant 42 : i32
    %scan3A_100 = arith.addi %scan3A_98, %scan3A_99 : i32
    %scan3A_101 = arith.constant 1 : i32
    scf.for %scan3A_113 = %scan3A_98 to %scan3A_100 step %scan3A_101  : i32 {
      %mul3A_114 = arith.constant 3 : i32
      %mul3A_115 = arith.muli %scan3A_113, %mul3A_114 : i32
      %add3A_116 = arith.constant 0 : i32
      %add3A_117 = arith.addi %mul3A_115, %add3A_116 : i32
      %lt3A = arith.constant 125 : i32
      %lt3A_118 = arith.cmpi slt, %add3A_117, %lt3A : i32
      %convert_element_type3A = arith.extui %lt3A_118 : i1 to i32
      %cond3A = arith.constant 0 : i32
      %cond3A_119 = arith.cmpi ne, %convert_element_type3A, %cond3A : i32
      scf.if %cond3A_119 {
        %mul3A_138 = arith.constant 80 : i32
        %mul3A_139 = arith.muli %add3A_117, %mul3A_138 : i32
        %dma_wait3A_140 = tpu.memref_slice %arg7[%mul3A_139] : memref<10000xi32, #tpu.memory_space<vmem>> -> memref<80xi32, #tpu.memory_space<vmem>>
        %dma_wait3A_141 = arith.constant 0 : i32
        %dma_wait3A_142 = arith.constant 0 : i32
        %dma_wait3A_143 = tpu.memref_slice %arg2[%dma_wait3A_141, %dma_wait3A_142] : memref<10000x128xf32, #tpu.memory_space<hbm>> -> memref<10000x128xf32, #tpu.memory_space<hbm>>
        tpu.wait_indirect_dma semaphore(%arg16 : memref<!tpu.dma_semaphore, #tpu.memory_space<semaphore_mem>>) src(%dma_wait3A_143 : memref<10000x128xf32, #tpu.memory_space<hbm>>) dst(%arg11 : memref<80x128xf32, #tpu.memory_space<vmem>>)
        %mul3A_144 = arith.constant 80 : i32
        %mul3A_145 = arith.muli %add3A_117, %mul3A_144 : i32
        %add3A_146 = arith.addi %mul3A_3, %mul3A_145 : i32
        %dma_wait3A_147 = tpu.memref_slice %arg4[%add3A_146] : memref<320000xi32, #tpu.memory_space<hbm>> -> memref<80xi32, #tpu.memory_space<hbm>>
        %dma_wait3A_148 = tpu.memref_slice %arg4[%add3A_146] : memref<320000xi32, #tpu.memory_space<hbm>> -> memref<80xi32, #tpu.memory_space<hbm>>
        tpu.wait_dma2 semaphore(%arg22 : memref<!tpu.dma_semaphore, #tpu.memory_space<semaphore_mem>>) src(%dma_wait3A_148 : memref<80xi32, #tpu.memory_space<hbm>>) dst(%arg8 : memref<80xi32, #tpu.memory_space<vmem>>)
        %dma_start3A_149 = arith.constant 0 : i32
        %dma_start3A_150 = arith.constant 0 : i32
        %dma_start3A_151 = tpu.memref_slice %arg14[%dma_start3A_149, %dma_start3A_150] : memref<10240x128xf32, #tpu.memory_space<vmem_shared>> -> memref<10240x128xf32, #tpu.memory_space<vmem_shared>>
        tpu.enqueue_indirect_dma source(%arg11 : memref<80x128xf32, #tpu.memory_space<vmem>>) target(%dma_start3A_151 : memref<10240x128xf32, #tpu.memory_space<vmem_shared>>) offsets(%arg8 : memref<80xi32, #tpu.memory_space<vmem>>) semaphore(%arg19 : memref<!tpu.dma_semaphore, #tpu.memory_space<semaphore_mem>>) {add = true}
        %add3A_152 = arith.constant 2 : i32
        %add3A_153 = arith.addi %add3A_117, %add3A_152 : i32
        %lt3A_154 = arith.constant 125 : i32
        %lt3A_155 = arith.cmpi slt, %add3A_153, %lt3A_154 : i32
        %convert_element_type3A_156 = arith.extui %lt3A_155 : i1 to i32
        %cond3A_157 = arith.constant 0 : i32
        %cond3A_158 = arith.cmpi ne, %convert_element_type3A_156, %cond3A_157 : i32
        scf.if %cond3A_158 {
          %ge3A = arith.constant 1 : i32
          %ge3A_159 = arith.cmpi sge, %add3A_117, %ge3A : i32
          %convert_element_type3A_160 = arith.extui %ge3A_159 : i1 to i32
          %cond3A_161 = arith.constant 0 : i32
          %cond3A_162 = arith.cmpi ne, %convert_element_type3A_160, %cond3A_161 : i32
          scf.if %cond3A_162 {
            %dma_wait3A_176 = arith.constant 0 : i32
            %dma_wait3A_177 = arith.constant 0 : i32
            %dma_wait3A_178 = tpu.memref_slice %arg14[%dma_wait3A_176, %dma_wait3A_177] : memref<10240x128xf32, #tpu.memory_space<vmem_shared>> -> memref<10240x128xf32, #tpu.memory_space<vmem_shared>>
            tpu.wait_indirect_dma semaphore(%arg21 : memref<!tpu.dma_semaphore, #tpu.memory_space<semaphore_mem>>) src(%arg13 : memref<80x128xf32, #tpu.memory_space<vmem>>) dst(%dma_wait3A_178 : memref<10240x128xf32, #tpu.memory_space<vmem_shared>>)
          } else {
          }
          %add3A_163 = arith.constant 2 : i32
          %add3A_164 = arith.addi %add3A_117, %add3A_163 : i32
          %mul3A_165 = arith.constant 80 : i32
          %mul3A_166 = arith.muli %add3A_164, %mul3A_165 : i32
          %add3A_167 = arith.addi %mul3A_3, %mul3A_166 : i32
          %dma_start3A_168 = tpu.memref_slice %arg4[%add3A_167] : memref<320000xi32, #tpu.memory_space<hbm>> -> memref<80xi32, #tpu.memory_space<hbm>>
          %dma_start3A_169 = tpu.memref_slice %arg4[%add3A_167] : memref<320000xi32, #tpu.memory_space<hbm>> -> memref<80xi32, #tpu.memory_space<hbm>>
          tpu.enqueue_dma source(%dma_start3A_169 : memref<80xi32, #tpu.memory_space<hbm>>) target(%arg10 : memref<80xi32, #tpu.memory_space<vmem>>) target_semaphore(%arg24 : memref<!tpu.dma_semaphore, #tpu.memory_space<semaphore_mem>>)
          %mul3A_170 = arith.constant 80 : i32
          %mul3A_171 = arith.muli %add3A_164, %mul3A_170 : i32
          %dma_start3A_172 = tpu.memref_slice %arg7[%mul3A_171] : memref<10000xi32, #tpu.memory_space<vmem>> -> memref<80xi32, #tpu.memory_space<vmem>>
          %dma_start3A_173 = arith.constant 0 : i32
          %dma_start3A_174 = arith.constant 0 : i32
          %dma_start3A_175 = tpu.memref_slice %arg2[%dma_start3A_173, %dma_start3A_174] : memref<10000x128xf32, #tpu.memory_space<hbm>> -> memref<10000x128xf32, #tpu.memory_space<hbm>>
          tpu.enqueue_indirect_dma source(%dma_start3A_175 : memref<10000x128xf32, #tpu.memory_space<hbm>>) target(%arg13 : memref<80x128xf32, #tpu.memory_space<vmem>>) offsets(%dma_start3A_172 : memref<80xi32, #tpu.memory_space<vmem>>) semaphore(%arg18 : memref<!tpu.dma_semaphore, #tpu.memory_space<semaphore_mem>>)
        } else {
        }
      } else {
      }
      %mul3A_120 = arith.constant 3 : i32
      %mul3A_121 = arith.muli %scan3A_113, %mul3A_120 : i32
      %add3A_122 = arith.constant 1 : i32
      %add3A_123 = arith.addi %mul3A_121, %add3A_122 : i32
      %lt3A_124 = arith.constant 125 : i32
      %lt3A_125 = arith.cmpi slt, %add3A_123, %lt3A_124 : i32
      %convert_element_type3A_126 = arith.extui %lt3A_125 : i1 to i32
      %cond3A_127 = arith.constant 0 : i32
      %cond3A_128 = arith.cmpi ne, %convert_element_type3A_126, %cond3A_127 : i32
      scf.if %cond3A_128 {
        %mul3A_138 = arith.constant 80 : i32
        %mul3A_139 = arith.muli %add3A_123, %mul3A_138 : i32
        %dma_wait3A_140 = tpu.memref_slice %arg7[%mul3A_139] : memref<10000xi32, #tpu.memory_space<vmem>> -> memref<80xi32, #tpu.memory_space<vmem>>
        %dma_wait3A_141 = arith.constant 0 : i32
        %dma_wait3A_142 = arith.constant 0 : i32
        %dma_wait3A_143 = tpu.memref_slice %arg2[%dma_wait3A_141, %dma_wait3A_142] : memref<10000x128xf32, #tpu.memory_space<hbm>> -> memref<10000x128xf32, #tpu.memory_space<hbm>>
        tpu.wait_indirect_dma semaphore(%arg17 : memref<!tpu.dma_semaphore, #tpu.memory_space<semaphore_mem>>) src(%dma_wait3A_143 : memref<10000x128xf32, #tpu.memory_space<hbm>>) dst(%arg12 : memref<80x128xf32, #tpu.memory_space<vmem>>)
        %mul3A_144 = arith.constant 80 : i32
        %mul3A_145 = arith.muli %add3A_123, %mul3A_144 : i32
        %add3A_146 = arith.addi %mul3A_3, %mul3A_145 : i32
        %dma_wait3A_147 = tpu.memref_slice %arg4[%add3A_146] : memref<320000xi32, #tpu.memory_space<hbm>> -> memref<80xi32, #tpu.memory_space<hbm>>
        %dma_wait3A_148 = tpu.memref_slice %arg4[%add3A_146] : memref<320000xi32, #tpu.memory_space<hbm>> -> memref<80xi32, #tpu.memory_space<hbm>>
        tpu.wait_dma2 semaphore(%arg23 : memref<!tpu.dma_semaphore, #tpu.memory_space<semaphore_mem>>) src(%dma_wait3A_148 : memref<80xi32, #tpu.memory_space<hbm>>) dst(%arg9 : memref<80xi32, #tpu.memory_space<vmem>>)
        %dma_start3A_149 = arith.constant 0 : i32
        %dma_start3A_150 = arith.constant 0 : i32
        %dma_start3A_151 = tpu.memref_slice %arg14[%dma_start3A_149, %dma_start3A_150] : memref<10240x128xf32, #tpu.memory_space<vmem_shared>> -> memref<10240x128xf32, #tpu.memory_space<vmem_shared>>
        tpu.enqueue_indirect_dma source(%arg12 : memref<80x128xf32, #tpu.memory_space<vmem>>) target(%dma_start3A_151 : memref<10240x128xf32, #tpu.memory_space<vmem_shared>>) offsets(%arg9 : memref<80xi32, #tpu.memory_space<vmem>>) semaphore(%arg20 : memref<!tpu.dma_semaphore, #tpu.memory_space<semaphore_mem>>) {add = true}
        %add3A_152 = arith.constant 2 : i32
        %add3A_153 = arith.addi %add3A_123, %add3A_152 : i32
        %lt3A_154 = arith.constant 125 : i32
        %lt3A_155 = arith.cmpi slt, %add3A_153, %lt3A_154 : i32
        %convert_element_type3A_156 = arith.extui %lt3A_155 : i1 to i32
        %cond3A_157 = arith.constant 0 : i32
        %cond3A_158 = arith.cmpi ne, %convert_element_type3A_156, %cond3A_157 : i32
        scf.if %cond3A_158 {
          %ge3A = arith.constant 1 : i32
          %ge3A_159 = arith.cmpi sge, %add3A_123, %ge3A : i32
          %convert_element_type3A_160 = arith.extui %ge3A_159 : i1 to i32
          %cond3A_161 = arith.constant 0 : i32
          %cond3A_162 = arith.cmpi ne, %convert_element_type3A_160, %cond3A_161 : i32
          scf.if %cond3A_162 {
            %dma_wait3A_176 = arith.constant 0 : i32
            %dma_wait3A_177 = arith.constant 0 : i32
            %dma_wait3A_178 = tpu.memref_slice %arg14[%dma_wait3A_176, %dma_wait3A_177] : memref<10240x128xf32, #tpu.memory_space<vmem_shared>> -> memref<10240x128xf32, #tpu.memory_space<vmem_shared>>
            tpu.wait_indirect_dma semaphore(%arg19 : memref<!tpu.dma_semaphore, #tpu.memory_space<semaphore_mem>>) src(%arg11 : memref<80x128xf32, #tpu.memory_space<vmem>>) dst(%dma_wait3A_178 : memref<10240x128xf32, #tpu.memory_space<vmem_shared>>)
          } else {
          }
          %add3A_163 = arith.constant 2 : i32
          %add3A_164 = arith.addi %add3A_123, %add3A_163 : i32
          %mul3A_165 = arith.constant 80 : i32
          %mul3A_166 = arith.muli %add3A_164, %mul3A_165 : i32
          %add3A_167 = arith.addi %mul3A_3, %mul3A_166 : i32
          %dma_start3A_168 = tpu.memref_slice %arg4[%add3A_167] : memref<320000xi32, #tpu.memory_space<hbm>> -> memref<80xi32, #tpu.memory_space<hbm>>
          %dma_start3A_169 = tpu.memref_slice %arg4[%add3A_167] : memref<320000xi32, #tpu.memory_space<hbm>> -> memref<80xi32, #tpu.memory_space<hbm>>
          tpu.enqueue_dma source(%dma_start3A_169 : memref<80xi32, #tpu.memory_space<hbm>>) target(%arg8 : memref<80xi32, #tpu.memory_space<vmem>>) target_semaphore(%arg22 : memref<!tpu.dma_semaphore, #tpu.memory_space<semaphore_mem>>)
          %mul3A_170 = arith.constant 80 : i32
          %mul3A_171 = arith.muli %add3A_164, %mul3A_170 : i32
          %dma_start3A_172 = tpu.memref_slice %arg7[%mul3A_171] : memref<10000xi32, #tpu.memory_space<vmem>> -> memref<80xi32, #tpu.memory_space<vmem>>
          %dma_start3A_173 = arith.constant 0 : i32
          %dma_start3A_174 = arith.constant 0 : i32
          %dma_start3A_175 = tpu.memref_slice %arg2[%dma_start3A_173, %dma_start3A_174] : memref<10000x128xf32, #tpu.memory_space<hbm>> -> memref<10000x128xf32, #tpu.memory_space<hbm>>
          tpu.enqueue_indirect_dma source(%dma_start3A_175 : memref<10000x128xf32, #tpu.memory_space<hbm>>) target(%arg11 : memref<80x128xf32, #tpu.memory_space<vmem>>) offsets(%dma_start3A_172 : memref<80xi32, #tpu.memory_space<vmem>>) semaphore(%arg16 : memref<!tpu.dma_semaphore, #tpu.memory_space<semaphore_mem>>)
        } else {
        }
      } else {
      }
      %mul3A_129 = arith.constant 3 : i32
      %mul3A_130 = arith.muli %scan3A_113, %mul3A_129 : i32
      %add3A_131 = arith.constant 2 : i32
      %add3A_132 = arith.addi %mul3A_130, %add3A_131 : i32
      %lt3A_133 = arith.constant 125 : i32
      %lt3A_134 = arith.cmpi slt, %add3A_132, %lt3A_133 : i32
      %convert_element_type3A_135 = arith.extui %lt3A_134 : i1 to i32
      %cond3A_136 = arith.constant 0 : i32
      %cond3A_137 = arith.cmpi ne, %convert_element_type3A_135, %cond3A_136 : i32
      scf.if %cond3A_137 {
        %mul3A_138 = arith.constant 80 : i32
        %mul3A_139 = arith.muli %add3A_132, %mul3A_138 : i32
        %dma_wait3A_140 = tpu.memref_slice %arg7[%mul3A_139] : memref<10000xi32, #tpu.memory_space<vmem>> -> memref<80xi32, #tpu.memory_space<vmem>>
        %dma_wait3A_141 = arith.constant 0 : i32
        %dma_wait3A_142 = arith.constant 0 : i32
        %dma_wait3A_143 = tpu.memref_slice %arg2[%dma_wait3A_141, %dma_wait3A_142] : memref<10000x128xf32, #tpu.memory_space<hbm>> -> memref<10000x128xf32, #tpu.memory_space<hbm>>
        tpu.wait_indirect_dma semaphore(%arg18 : memref<!tpu.dma_semaphore, #tpu.memory_space<semaphore_mem>>) src(%dma_wait3A_143 : memref<10000x128xf32, #tpu.memory_space<hbm>>) dst(%arg13 : memref<80x128xf32, #tpu.memory_space<vmem>>)
        %mul3A_144 = arith.constant 80 : i32
        %mul3A_145 = arith.muli %add3A_132, %mul3A_144 : i32
        %add3A_146 = arith.addi %mul3A_3, %mul3A_145 : i32
        %dma_wait3A_147 = tpu.memref_slice %arg4[%add3A_146] : memref<320000xi32, #tpu.memory_space<hbm>> -> memref<80xi32, #tpu.memory_space<hbm>>
        %dma_wait3A_148 = tpu.memref_slice %arg4[%add3A_146] : memref<320000xi32, #tpu.memory_space<hbm>> -> memref<80xi32, #tpu.memory_space<hbm>>
        tpu.wait_dma2 semaphore(%arg24 : memref<!tpu.dma_semaphore, #tpu.memory_space<semaphore_mem>>) src(%dma_wait3A_148 : memref<80xi32, #tpu.memory_space<hbm>>) dst(%arg10 : memref<80xi32, #tpu.memory_space<vmem>>)
        %dma_start3A_149 = arith.constant 0 : i32
        %dma_start3A_150 = arith.constant 0 : i32
        %dma_start3A_151 = tpu.memref_slice %arg14[%dma_start3A_149, %dma_start3A_150] : memref<10240x128xf32, #tpu.memory_space<vmem_shared>> -> memref<10240x128xf32, #tpu.memory_space<vmem_shared>>
        tpu.enqueue_indirect_dma source(%arg13 : memref<80x128xf32, #tpu.memory_space<vmem>>) target(%dma_start3A_151 : memref<10240x128xf32, #tpu.memory_space<vmem_shared>>) offsets(%arg10 : memref<80xi32, #tpu.memory_space<vmem>>) semaphore(%arg21 : memref<!tpu.dma_semaphore, #tpu.memory_space<semaphore_mem>>) {add = true}
        %add3A_152 = arith.constant 2 : i32
        %add3A_153 = arith.addi %add3A_132, %add3A_152 : i32
        %lt3A_154 = arith.constant 125 : i32
        %lt3A_155 = arith.cmpi slt, %add3A_153, %lt3A_154 : i32
        %convert_element_type3A_156 = arith.extui %lt3A_155 : i1 to i32
        %cond3A_157 = arith.constant 0 : i32
        %cond3A_158 = arith.cmpi ne, %convert_element_type3A_156, %cond3A_157 : i32
        scf.if %cond3A_158 {
          %ge3A = arith.constant 1 : i32
          %ge3A_159 = arith.cmpi sge, %add3A_132, %ge3A : i32
          %convert_element_type3A_160 = arith.extui %ge3A_159 : i1 to i32
          %cond3A_161 = arith.constant 0 : i32
          %cond3A_162 = arith.cmpi ne, %convert_element_type3A_160, %cond3A_161 : i32
          scf.if %cond3A_162 {
            %dma_wait3A_176 = arith.constant 0 : i32
            %dma_wait3A_177 = arith.constant 0 : i32
            %dma_wait3A_178 = tpu.memref_slice %arg14[%dma_wait3A_176, %dma_wait3A_177] : memref<10240x128xf32, #tpu.memory_space<vmem_shared>> -> memref<10240x128xf32, #tpu.memory_space<vmem_shared>>
            tpu.wait_indirect_dma semaphore(%arg20 : memref<!tpu.dma_semaphore, #tpu.memory_space<semaphore_mem>>) src(%arg12 : memref<80x128xf32, #tpu.memory_space<vmem>>) dst(%dma_wait3A_178 : memref<10240x128xf32, #tpu.memory_space<vmem_shared>>)
          } else {
          }
          %add3A_163 = arith.constant 2 : i32
          %add3A_164 = arith.addi %add3A_132, %add3A_163 : i32
          %mul3A_165 = arith.constant 80 : i32
          %mul3A_166 = arith.muli %add3A_164, %mul3A_165 : i32
          %add3A_167 = arith.addi %mul3A_3, %mul3A_166 : i32
          %dma_start3A_168 = tpu.memref_slice %arg4[%add3A_167] : memref<320000xi32, #tpu.memory_space<hbm>> -> memref<80xi32, #tpu.memory_space<hbm>>
          %dma_start3A_169 = tpu.memref_slice %arg4[%add3A_167] : memref<320000xi32, #tpu.memory_space<hbm>> -> memref<80xi32, #tpu.memory_space<hbm>>
          tpu.enqueue_dma source(%dma_start3A_169 : memref<80xi32, #tpu.memory_space<hbm>>) target(%arg9 : memref<80xi32, #tpu.memory_space<vmem>>) target_semaphore(%arg23 : memref<!tpu.dma_semaphore, #tpu.memory_space<semaphore_mem>>)
          %mul3A_170 = arith.constant 80 : i32
          %mul3A_171 = arith.muli %add3A_164, %mul3A_170 : i32
          %dma_start3A_172 = tpu.memref_slice %arg7[%mul3A_171] : memref<10000xi32, #tpu.memory_space<vmem>> -> memref<80xi32, #tpu.memory_space<vmem>>
          %dma_start3A_173 = arith.constant 0 : i32
          %dma_start3A_174 = arith.constant 0 : i32
          %dma_start3A_175 = tpu.memref_slice %arg2[%dma_start3A_173, %dma_start3A_174] : memref<10000x128xf32, #tpu.memory_space<hbm>> -> memref<10000x128xf32, #tpu.memory_space<hbm>>
          tpu.enqueue_indirect_dma source(%dma_start3A_175 : memref<10000x128xf32, #tpu.memory_space<hbm>>) target(%arg12 : memref<80x128xf32, #tpu.memory_space<vmem>>) offsets(%dma_start3A_172 : memref<80xi32, #tpu.memory_space<vmem>>) semaphore(%arg17 : memref<!tpu.dma_semaphore, #tpu.memory_space<semaphore_mem>>)
        } else {
        }
      } else {
      }
    }
    %scan3A_102 = arith.constant 42 : i32
    %dma_wait3A_103 = arith.constant 0 : i32
    %dma_wait3A_104 = arith.constant 0 : i32
    %dma_wait3A_105 = tpu.memref_slice %arg14[%dma_wait3A_103, %dma_wait3A_104] : memref<10240x128xf32, #tpu.memory_space<vmem_shared>> -> memref<10240x128xf32, #tpu.memory_space<vmem_shared>>
    tpu.wait_indirect_dma semaphore(%arg21 : memref<!tpu.dma_semaphore, #tpu.memory_space<semaphore_mem>>) src(%arg13 : memref<80x128xf32, #tpu.memory_space<vmem>>) dst(%dma_wait3A_105 : memref<10240x128xf32, #tpu.memory_space<vmem_shared>>)
    %dma_wait3A_106 = arith.constant 0 : i32
    %dma_wait3A_107 = arith.constant 0 : i32
    %dma_wait3A_108 = tpu.memref_slice %arg14[%dma_wait3A_106, %dma_wait3A_107] : memref<10240x128xf32, #tpu.memory_space<vmem_shared>> -> memref<10240x128xf32, #tpu.memory_space<vmem_shared>>
    tpu.wait_indirect_dma semaphore(%arg19 : memref<!tpu.dma_semaphore, #tpu.memory_space<semaphore_mem>>) src(%arg11 : memref<80x128xf32, #tpu.memory_space<vmem>>) dst(%dma_wait3A_108 : memref<10240x128xf32, #tpu.memory_space<vmem_shared>>)
    %dma_wait3A_109 = arith.constant 0 : i32
    %dma_wait3A_110 = arith.constant 0 : i32
    %dma_wait3A_111 = tpu.memref_slice %arg14[%dma_wait3A_109, %dma_wait3A_110] : memref<10240x128xf32, #tpu.memory_space<vmem_shared>> -> memref<10240x128xf32, #tpu.memory_space<vmem_shared>>
    tpu.wait_indirect_dma semaphore(%arg20 : memref<!tpu.dma_semaphore, #tpu.memory_space<semaphore_mem>>) src(%arg12 : memref<80x128xf32, #tpu.memory_space<vmem>>) dst(%dma_wait3A_111 : memref<10240x128xf32, #tpu.memory_space<vmem_shared>>)
    %barrier3A_112 = arith.constant 0 : index
    tpu.barrier barrier_id(%barrier3A_112)
    "tpu.region"() ({
      %run_scoped3A = tpu.sem_alloc : memref<!tpu.dma_semaphore, #tpu.memory_space<semaphore_mem>>
      %dma_start3A_113 = arith.constant 0 : i32
      %dma_start3A_114 = tpu.memref_slice %arg5[%arg0, %mul3A_10, %dma_start3A_113] : memref<2x10240x128xf32, #tpu.memory_space<hbm>> -> memref<1x640x128xf32, #tpu.memory_space<hbm>>
      %dma_start3A_115 = tpu.memref_squeeze %dma_start3A_114 : memref<1x640x128xf32, #tpu.memory_space<hbm>> -> memref<640x128xf32, #tpu.memory_space<hbm>>
      %dma_start3A_116 = arith.constant 0 : i32
      %dma_start3A_117 = tpu.memref_slice %arg14[%mul3A_10, %dma_start3A_116] : memref<10240x128xf32, #tpu.memory_space<vmem_shared>> -> memref<640x128xf32, #tpu.memory_space<vmem_shared>>
      tpu.enqueue_dma source(%dma_start3A_117 : memref<640x128xf32, #tpu.memory_space<vmem_shared>>) target(%dma_start3A_115 : memref<640x128xf32, #tpu.memory_space<hbm>>) target_semaphore(%run_scoped3A : memref<!tpu.dma_semaphore, #tpu.memory_space<semaphore_mem>>)
      %dma_wait3A_118 = arith.constant 0 : i32
      %dma_wait3A_119 = tpu.memref_slice %arg5[%arg0, %mul3A_10, %dma_wait3A_118] : memref<2x10240x128xf32, #tpu.memory_space<hbm>> -> memref<1x640x128xf32, #tpu.memory_space<hbm>>
      %dma_wait3A_120 = tpu.memref_squeeze %dma_wait3A_119 : memref<1x640x128xf32, #tpu.memory_space<hbm>> -> memref<640x128xf32, #tpu.memory_space<hbm>>
      %dma_wait3A_121 = arith.constant 0 : i32
      %dma_wait3A_122 = tpu.memref_slice %arg14[%mul3A_10, %dma_wait3A_121] : memref<10240x128xf32, #tpu.memory_space<vmem_shared>> -> memref<640x128xf32, #tpu.memory_space<vmem_shared>>
      tpu.wait_dma2 semaphore(%run_scoped3A : memref<!tpu.dma_semaphore, #tpu.memory_space<semaphore_mem>>) src(%dma_wait3A_122 : memref<640x128xf32, #tpu.memory_space<vmem_shared>>) dst(%dma_wait3A_120 : memref<640x128xf32, #tpu.memory_space<hbm>>)
      tpu.yield
    }) : () -> ()
    return
  }
}

#map = affine_map<(d0, d1) -> (0, 0)>
#map1 = affine_map<(d0, d1) -> (0)>
#map2 = affine_map<(d0, d1) -> (0, 0, 0)>
module attributes {stable_mosaic.version = 14 : i64} {
  func.func @sc_sage_aggregate(%arg0: i32, %arg1: i32, %arg2: memref<10000x128xf32, #tpu.memory_space<hbm>>, %arg3: memref<320000xi32, #tpu.memory_space<hbm>>, %arg4: memref<320000xi32, #tpu.memory_space<hbm>>, %arg5: memref<2x10240x128xf32, #tpu.memory_space<hbm>>, %arg6: memref<10000xi32, #tpu.memory_space<vmem>>, %arg7: memref<80xi32, #tpu.memory_space<vmem>>, %arg8: memref<80xi32, #tpu.memory_space<vmem>>, %arg9: memref<80xi32, #tpu.memory_space<vmem>>, %arg10: memref<80x128xf32, #tpu.memory_space<vmem>>, %arg11: memref<80x128xf32, #tpu.memory_space<vmem>>, %arg12: memref<80x128xf32, #tpu.memory_space<vmem>>, %arg13: memref<10240x128xf32, #tpu.memory_space<vmem_shared>>, %arg14: memref<!tpu.dma_semaphore, #tpu.memory_space<semaphore_mem>>, %arg15: memref<!tpu.dma_semaphore, #tpu.memory_space<semaphore_mem>>, %arg16: memref<!tpu.dma_semaphore, #tpu.memory_space<semaphore_mem>>, %arg17: memref<!tpu.dma_semaphore, #tpu.memory_space<semaphore_mem>>, %arg18: memref<!tpu.dma_semaphore, #tpu.memory_space<semaphore_mem>>, %arg19: memref<!tpu.dma_semaphore, #tpu.memory_space<semaphore_mem>>, %arg20: memref<!tpu.dma_semaphore, #tpu.memory_space<semaphore_mem>>, %arg21: memref<!tpu.dma_semaphore, #tpu.memory_space<semaphore_mem>>, %arg22: memref<!tpu.dma_semaphore, #tpu.memory_space<semaphore_mem>>, %arg23: memref<!tpu.dma_semaphore, #tpu.memory_space<semaphore_mem>>) attributes {dimension_semantics = [#tpu.dimension_semantics<core_parallel>, #tpu.dimension_semantics<subcore_parallel>], iteration_bounds = array<i64: 2, 16>, scalar_prefetch = 0 : i64, scratch_operands = 18 : i64, tpu.core_type = #tpu.core_type<sc_vector_subcore>, window_params = [{transform_indices = #map}, {transform_indices = #map1}, {transform_indices = #map1}, {transform_indices = #map2}]} {
    %mul3A = arith.constant 2 : i32
    %mul3A_0 = arith.muli %arg1, %mul3A : i32
    %add3A = arith.addi %mul3A_0, %arg0 : i32
    %broadcast_in_dim3A = arith.constant 0.000000e+00 : f32
    %broadcast_in_dim3A_1 = vector.broadcast %broadcast_in_dim3A : f32 to vector<16xf32>
    %mul3A_2 = arith.constant 10000 : i32
    %mul3A_3 = arith.muli %add3A, %mul3A_2 : i32
    %dma_start3A = tpu.memref_slice %arg3[%mul3A_3] : memref<320000xi32, #tpu.memory_space<hbm>> -> memref<10000xi32, #tpu.memory_space<hbm>>
    %dma_start3A_4 = tpu.memref_slice %arg3[%mul3A_3] : memref<320000xi32, #tpu.memory_space<hbm>> -> memref<10000xi32, #tpu.memory_space<hbm>>
    tpu.enqueue_dma source(%dma_start3A_4 : memref<10000xi32, #tpu.memory_space<hbm>>) target(%arg6 : memref<10000xi32, #tpu.memory_space<vmem>>) target_semaphore(%arg14 : memref<!tpu.dma_semaphore, #tpu.memory_space<semaphore_mem>>)
    %scan3A = arith.constant 0 : i32
    %scan3A_5 = arith.constant 640 : i32
    %scan3A_6 = arith.addi %scan3A, %scan3A_5 : i32
    %scan3A_7 = arith.constant 1 : i32
    scf.for %scan3A_61 = %scan3A to %scan3A_6 step %scan3A_7  : i32 {
      %jit3A = arith.constant 8 : i32
      %div3A = arith.divsi %scan3A_61, %jit3A : i32
      %sign3A = arith.constant 0 : i32
      %sign3A_62 = arith.cmpi sgt, %scan3A_61, %sign3A : i32
      %sign3A_63 = arith.extui %sign3A_62 : i1 to i32
      %sign3A_64 = arith.constant 0 : i32
      %sign3A_65 = arith.cmpi slt, %scan3A_61, %sign3A_64 : i32
      %sign3A_66 = arith.extui %sign3A_65 : i1 to i32
      %sign3A_67 = arith.subi %sign3A_63, %sign3A_66 : i32
      %sign3A_68 = arith.constant 0 : i32
      %sign3A_69 = arith.cmpi sgt, %jit3A, %sign3A_68 : i32
      %sign3A_70 = arith.extui %sign3A_69 : i1 to i32
      %sign3A_71 = arith.constant 0 : i32
      %sign3A_72 = arith.cmpi slt, %jit3A, %sign3A_71 : i32
      %sign3A_73 = arith.extui %sign3A_72 : i1 to i32
      %sign3A_74 = arith.subi %sign3A_70, %sign3A_73 : i32
      %ne3A = arith.cmpi ne, %sign3A_67, %sign3A_74 : i32
      %rem3A = arith.remsi %scan3A_61, %jit3A : i32
      %ne3A_75 = arith.constant 0 : i32
      %ne3A_76 = arith.cmpi ne, %rem3A, %ne3A_75 : i32
      %and3A = arith.andi %ne3A, %ne3A_76 : i1
      %sub3A = arith.constant 1 : i32
      %sub3A_77 = arith.subi %div3A, %sub3A : i32
      %select_n3A = arith.select %and3A, %sub3A_77, %div3A : i32
      %jit3A_78 = arith.constant 8 : i32
      %eq3A = arith.constant 0 : i32
      %eq3A_79 = arith.cmpi eq, %jit3A_78, %eq3A : i32
      %jit3A_80 = arith.constant 1 : i32
      %select_n3A_81 = arith.select %eq3A_79, %jit3A_80, %jit3A_78 : i32
      %rem3A_82 = arith.remsi %scan3A_61, %select_n3A_81 : i32
      %ne3A_83 = arith.constant 0 : i32
      %ne3A_84 = arith.cmpi ne, %rem3A_82, %ne3A_83 : i32
      %lt3A = arith.constant 0 : i32
      %lt3A_85 = arith.cmpi slt, %rem3A_82, %lt3A : i32
      %lt3A_86 = arith.constant 0 : i32
      %lt3A_87 = arith.cmpi slt, %select_n3A_81, %lt3A_86 : i32
      %ne3A_88 = arith.xori %lt3A_85, %lt3A_87 : i1
      %and3A_89 = arith.andi %ne3A_88, %ne3A_84 : i1
      %add3A_90 = arith.addi %rem3A_82, %select_n3A_81 : i32
      %select_n3A_91 = arith.select %and3A_89, %add3A_90, %rem3A_82 : i32
      %mul3A_92 = arith.constant 16 : i32
      %mul3A_93 = arith.muli %select_n3A_91, %mul3A_92 : i32
      %swap3A = arith.index_cast %select_n3A : i32 to index
      %swap3A_94 = arith.index_cast %mul3A_93 : i32 to index
      %swap3A_95 = tpu.vector_load %arg10[%swap3A, %swap3A_94] {strides = array<i32>} : memref<80x128xf32, #tpu.memory_space<vmem>>, vector<1x16xf32>,
      %swap3A_96 = vector.shape_cast %swap3A_95 : vector<1x16xf32> to vector<16xf32>
      %swap3A_97 = vector.shape_cast %broadcast_in_dim3A_1 : vector<16xf32> to vector<1x16xf32>
      tpu.vector_store %arg10[%swap3A, %swap3A_94], %swap3A_97 {strides = array<i32>} : memref<80x128xf32, #tpu.memory_space<vmem>>, vector<1x16xf32>,
    }
    %scan3A_8 = arith.constant 640 : i32
    %mul3A_9 = arith.constant 640 : i32
    %mul3A_10 = arith.muli %arg1, %mul3A_9 : i32
    %add3A_11 = arith.constant 0 : i32
    %add3A_12 = arith.addi %mul3A_10, %add3A_11 : i32
    "tpu.region"() ({
      %run_scoped3A = tpu.sem_alloc : memref<!tpu.dma_semaphore, #tpu.memory_space<semaphore_mem>>
      %dma_start3A_61 = arith.constant 0 : i32
      %dma_start3A_62 = tpu.memref_slice %arg13[%add3A_12, %dma_start3A_61] : memref<10240x128xf32, #tpu.memory_space<vmem_shared>> -> memref<80x128xf32, #tpu.memory_space<vmem_shared>>
      %dma_start3A_63 = arith.constant 0 : i32
      %dma_start3A_64 = tpu.memref_slice %arg13[%add3A_12, %dma_start3A_63] : memref<10240x128xf32, #tpu.memory_space<vmem_shared>> -> memref<80x128xf32, #tpu.memory_space<vmem_shared>>
      tpu.enqueue_dma source(%arg10 : memref<80x128xf32, #tpu.memory_space<vmem>>) target(%dma_start3A_64 : memref<80x128xf32, #tpu.memory_space<vmem_shared>>) target_semaphore(%run_scoped3A : memref<!tpu.dma_semaphore, #tpu.memory_space<semaphore_mem>>)
      %dma_wait3A_65 = arith.constant 0 : i32
      %dma_wait3A_66 = tpu.memref_slice %arg13[%add3A_12, %dma_wait3A_65] : memref<10240x128xf32, #tpu.memory_space<vmem_shared>> -> memref<80x128xf32, #tpu.memory_space<vmem_shared>>
      %dma_wait3A_67 = arith.constant 0 : i32
      %dma_wait3A_68 = tpu.memref_slice %arg13[%add3A_12, %dma_wait3A_67] : memref<10240x128xf32, #tpu.memory_space<vmem_shared>> -> memref<80x128xf32, #tpu.memory_space<vmem_shared>>
      tpu.wait_dma2 semaphore(%run_scoped3A : memref<!tpu.dma_semaphore, #tpu.memory_space<semaphore_mem>>) src(%arg10 : memref<80x128xf32, #tpu.memory_space<vmem>>) dst(%dma_wait3A_68 : memref<80x128xf32, #tpu.memory_space<vmem_shared>>)
      tpu.yield
    }) : () -> ()
    %add3A_13 = arith.constant 80 : i32
    %add3A_14 = arith.addi %mul3A_10, %add3A_13 : i32
    "tpu.region"() ({
      %run_scoped3A = tpu.sem_alloc : memref<!tpu.dma_semaphore, #tpu.memory_space<semaphore_mem>>
      %dma_start3A_61 = arith.constant 0 : i32
      %dma_start3A_62 = tpu.memref_slice %arg13[%add3A_14, %dma_start3A_61] : memref<10240x128xf32, #tpu.memory_space<vmem_shared>> -> memref<80x128xf32, #tpu.memory_space<vmem_shared>>
      %dma_start3A_63 = arith.constant 0 : i32
      %dma_start3A_64 = tpu.memref_slice %arg13[%add3A_14, %dma_start3A_63] : memref<10240x128xf32, #tpu.memory_space<vmem_shared>> -> memref<80x128xf32, #tpu.memory_space<vmem_shared>>
      tpu.enqueue_dma source(%arg10 : memref<80x128xf32, #tpu.memory_space<vmem>>) target(%dma_start3A_64 : memref<80x128xf32, #tpu.memory_space<vmem_shared>>) target_semaphore(%run_scoped3A : memref<!tpu.dma_semaphore, #tpu.memory_space<semaphore_mem>>)
      %dma_wait3A_65 = arith.constant 0 : i32
      %dma_wait3A_66 = tpu.memref_slice %arg13[%add3A_14, %dma_wait3A_65] : memref<10240x128xf32, #tpu.memory_space<vmem_shared>> -> memref<80x128xf32, #tpu.memory_space<vmem_shared>>
      %dma_wait3A_67 = arith.constant 0 : i32
      %dma_wait3A_68 = tpu.memref_slice %arg13[%add3A_14, %dma_wait3A_67] : memref<10240x128xf32, #tpu.memory_space<vmem_shared>> -> memref<80x128xf32, #tpu.memory_space<vmem_shared>>
      tpu.wait_dma2 semaphore(%run_scoped3A : memref<!tpu.dma_semaphore, #tpu.memory_space<semaphore_mem>>) src(%arg10 : memref<80x128xf32, #tpu.memory_space<vmem>>) dst(%dma_wait3A_68 : memref<80x128xf32, #tpu.memory_space<vmem_shared>>)
      tpu.yield
    }) : () -> ()
    %add3A_15 = arith.constant 160 : i32
    %add3A_16 = arith.addi %mul3A_10, %add3A_15 : i32
    "tpu.region"() ({
      %run_scoped3A = tpu.sem_alloc : memref<!tpu.dma_semaphore, #tpu.memory_space<semaphore_mem>>
      %dma_start3A_61 = arith.constant 0 : i32
      %dma_start3A_62 = tpu.memref_slice %arg13[%add3A_16, %dma_start3A_61] : memref<10240x128xf32, #tpu.memory_space<vmem_shared>> -> memref<80x128xf32, #tpu.memory_space<vmem_shared>>
      %dma_start3A_63 = arith.constant 0 : i32
      %dma_start3A_64 = tpu.memref_slice %arg13[%add3A_16, %dma_start3A_63] : memref<10240x128xf32, #tpu.memory_space<vmem_shared>> -> memref<80x128xf32, #tpu.memory_space<vmem_shared>>
      tpu.enqueue_dma source(%arg10 : memref<80x128xf32, #tpu.memory_space<vmem>>) target(%dma_start3A_64 : memref<80x128xf32, #tpu.memory_space<vmem_shared>>) target_semaphore(%run_scoped3A : memref<!tpu.dma_semaphore, #tpu.memory_space<semaphore_mem>>)
      %dma_wait3A_65 = arith.constant 0 : i32
      %dma_wait3A_66 = tpu.memref_slice %arg13[%add3A_16, %dma_wait3A_65] : memref<10240x128xf32, #tpu.memory_space<vmem_shared>> -> memref<80x128xf32, #tpu.memory_space<vmem_shared>>
      %dma_wait3A_67 = arith.constant 0 : i32
      %dma_wait3A_68 = tpu.memref_slice %arg13[%add3A_16, %dma_wait3A_67] : memref<10240x128xf32, #tpu.memory_space<vmem_shared>> -> memref<80x128xf32, #tpu.memory_space<vmem_shared>>
      tpu.wait_dma2 semaphore(%run_scoped3A : memref<!tpu.dma_semaphore, #tpu.memory_space<semaphore_mem>>) src(%arg10 : memref<80x128xf32, #tpu.memory_space<vmem>>) dst(%dma_wait3A_68 : memref<80x128xf32, #tpu.memory_space<vmem_shared>>)
      tpu.yield
    }) : () -> ()
    %add3A_17 = arith.constant 240 : i32
    %add3A_18 = arith.addi %mul3A_10, %add3A_17 : i32
    "tpu.region"() ({
      %run_scoped3A = tpu.sem_alloc : memref<!tpu.dma_semaphore, #tpu.memory_space<semaphore_mem>>
      %dma_start3A_61 = arith.constant 0 : i32
      %dma_start3A_62 = tpu.memref_slice %arg13[%add3A_18, %dma_start3A_61] : memref<10240x128xf32, #tpu.memory_space<vmem_shared>> -> memref<80x128xf32, #tpu.memory_space<vmem_shared>>
      %dma_start3A_63 = arith.constant 0 : i32
      %dma_start3A_64 = tpu.memref_slice %arg13[%add3A_18, %dma_start3A_63] : memref<10240x128xf32, #tpu.memory_space<vmem_shared>> -> memref<80x128xf32, #tpu.memory_space<vmem_shared>>
      tpu.enqueue_dma source(%arg10 : memref<80x128xf32, #tpu.memory_space<vmem>>) target(%dma_start3A_64 : memref<80x128xf32, #tpu.memory_space<vmem_shared>>) target_semaphore(%run_scoped3A : memref<!tpu.dma_semaphore, #tpu.memory_space<semaphore_mem>>)
      %dma_wait3A_65 = arith.constant 0 : i32
      %dma_wait3A_66 = tpu.memref_slice %arg13[%add3A_18, %dma_wait3A_65] : memref<10240x128xf32, #tpu.memory_space<vmem_shared>> -> memref<80x128xf32, #tpu.memory_space<vmem_shared>>
      %dma_wait3A_67 = arith.constant 0 : i32
      %dma_wait3A_68 = tpu.memref_slice %arg13[%add3A_18, %dma_wait3A_67] : memref<10240x128xf32, #tpu.memory_space<vmem_shared>> -> memref<80x128xf32, #tpu.memory_space<vmem_shared>>
      tpu.wait_dma2 semaphore(%run_scoped3A : memref<!tpu.dma_semaphore, #tpu.memory_space<semaphore_mem>>) src(%arg10 : memref<80x128xf32, #tpu.memory_space<vmem>>) dst(%dma_wait3A_68 : memref<80x128xf32, #tpu.memory_space<vmem_shared>>)
      tpu.yield
    }) : () -> ()
    %add3A_19 = arith.constant 320 : i32
    %add3A_20 = arith.addi %mul3A_10, %add3A_19 : i32
    "tpu.region"() ({
      %run_scoped3A = tpu.sem_alloc : memref<!tpu.dma_semaphore, #tpu.memory_space<semaphore_mem>>
      %dma_start3A_61 = arith.constant 0 : i32
      %dma_start3A_62 = tpu.memref_slice %arg13[%add3A_20, %dma_start3A_61] : memref<10240x128xf32, #tpu.memory_space<vmem_shared>> -> memref<80x128xf32, #tpu.memory_space<vmem_shared>>
      %dma_start3A_63 = arith.constant 0 : i32
      %dma_start3A_64 = tpu.memref_slice %arg13[%add3A_20, %dma_start3A_63] : memref<10240x128xf32, #tpu.memory_space<vmem_shared>> -> memref<80x128xf32, #tpu.memory_space<vmem_shared>>
      tpu.enqueue_dma source(%arg10 : memref<80x128xf32, #tpu.memory_space<vmem>>) target(%dma_start3A_64 : memref<80x128xf32, #tpu.memory_space<vmem_shared>>) target_semaphore(%run_scoped3A : memref<!tpu.dma_semaphore, #tpu.memory_space<semaphore_mem>>)
      %dma_wait3A_65 = arith.constant 0 : i32
      %dma_wait3A_66 = tpu.memref_slice %arg13[%add3A_20, %dma_wait3A_65] : memref<10240x128xf32, #tpu.memory_space<vmem_shared>> -> memref<80x128xf32, #tpu.memory_space<vmem_shared>>
      %dma_wait3A_67 = arith.constant 0 : i32
      %dma_wait3A_68 = tpu.memref_slice %arg13[%add3A_20, %dma_wait3A_67] : memref<10240x128xf32, #tpu.memory_space<vmem_shared>> -> memref<80x128xf32, #tpu.memory_space<vmem_shared>>
      tpu.wait_dma2 semaphore(%run_scoped3A : memref<!tpu.dma_semaphore, #tpu.memory_space<semaphore_mem>>) src(%arg10 : memref<80x128xf32, #tpu.memory_space<vmem>>) dst(%dma_wait3A_68 : memref<80x128xf32, #tpu.memory_space<vmem_shared>>)
      tpu.yield
    }) : () -> ()
    %add3A_21 = arith.constant 400 : i32
    %add3A_22 = arith.addi %mul3A_10, %add3A_21 : i32
    "tpu.region"() ({
      %run_scoped3A = tpu.sem_alloc : memref<!tpu.dma_semaphore, #tpu.memory_space<semaphore_mem>>
      %dma_start3A_61 = arith.constant 0 : i32
      %dma_start3A_62 = tpu.memref_slice %arg13[%add3A_22, %dma_start3A_61] : memref<10240x128xf32, #tpu.memory_space<vmem_shared>> -> memref<80x128xf32, #tpu.memory_space<vmem_shared>>
      %dma_start3A_63 = arith.constant 0 : i32
      %dma_start3A_64 = tpu.memref_slice %arg13[%add3A_22, %dma_start3A_63] : memref<10240x128xf32, #tpu.memory_space<vmem_shared>> -> memref<80x128xf32, #tpu.memory_space<vmem_shared>>
      tpu.enqueue_dma source(%arg10 : memref<80x128xf32, #tpu.memory_space<vmem>>) target(%dma_start3A_64 : memref<80x128xf32, #tpu.memory_space<vmem_shared>>) target_semaphore(%run_scoped3A : memref<!tpu.dma_semaphore, #tpu.memory_space<semaphore_mem>>)
      %dma_wait3A_65 = arith.constant 0 : i32
      %dma_wait3A_66 = tpu.memref_slice %arg13[%add3A_22, %dma_wait3A_65] : memref<10240x128xf32, #tpu.memory_space<vmem_shared>> -> memref<80x128xf32, #tpu.memory_space<vmem_shared>>
      %dma_wait3A_67 = arith.constant 0 : i32
      %dma_wait3A_68 = tpu.memref_slice %arg13[%add3A_22, %dma_wait3A_67] : memref<10240x128xf32, #tpu.memory_space<vmem_shared>> -> memref<80x128xf32, #tpu.memory_space<vmem_shared>>
      tpu.wait_dma2 semaphore(%run_scoped3A : memref<!tpu.dma_semaphore, #tpu.memory_space<semaphore_mem>>) src(%arg10 : memref<80x128xf32, #tpu.memory_space<vmem>>) dst(%dma_wait3A_68 : memref<80x128xf32, #tpu.memory_space<vmem_shared>>)
      tpu.yield
    }) : () -> ()
    %add3A_23 = arith.constant 480 : i32
    %add3A_24 = arith.addi %mul3A_10, %add3A_23 : i32
    "tpu.region"() ({
      %run_scoped3A = tpu.sem_alloc : memref<!tpu.dma_semaphore, #tpu.memory_space<semaphore_mem>>
      %dma_start3A_61 = arith.constant 0 : i32
      %dma_start3A_62 = tpu.memref_slice %arg13[%add3A_24, %dma_start3A_61] : memref<10240x128xf32, #tpu.memory_space<vmem_shared>> -> memref<80x128xf32, #tpu.memory_space<vmem_shared>>
      %dma_start3A_63 = arith.constant 0 : i32
      %dma_start3A_64 = tpu.memref_slice %arg13[%add3A_24, %dma_start3A_63] : memref<10240x128xf32, #tpu.memory_space<vmem_shared>> -> memref<80x128xf32, #tpu.memory_space<vmem_shared>>
      tpu.enqueue_dma source(%arg10 : memref<80x128xf32, #tpu.memory_space<vmem>>) target(%dma_start3A_64 : memref<80x128xf32, #tpu.memory_space<vmem_shared>>) target_semaphore(%run_scoped3A : memref<!tpu.dma_semaphore, #tpu.memory_space<semaphore_mem>>)
      %dma_wait3A_65 = arith.constant 0 : i32
      %dma_wait3A_66 = tpu.memref_slice %arg13[%add3A_24, %dma_wait3A_65] : memref<10240x128xf32, #tpu.memory_space<vmem_shared>> -> memref<80x128xf32, #tpu.memory_space<vmem_shared>>
      %dma_wait3A_67 = arith.constant 0 : i32
      %dma_wait3A_68 = tpu.memref_slice %arg13[%add3A_24, %dma_wait3A_67] : memref<10240x128xf32, #tpu.memory_space<vmem_shared>> -> memref<80x128xf32, #tpu.memory_space<vmem_shared>>
      tpu.wait_dma2 semaphore(%run_scoped3A : memref<!tpu.dma_semaphore, #tpu.memory_space<semaphore_mem>>) src(%arg10 : memref<80x128xf32, #tpu.memory_space<vmem>>) dst(%dma_wait3A_68 : memref<80x128xf32, #tpu.memory_space<vmem_shared>>)
      tpu.yield
    }) : () -> ()
    %add3A_25 = arith.constant 560 : i32
    %add3A_26 = arith.addi %mul3A_10, %add3A_25 : i32
    "tpu.region"() ({
      %run_scoped3A = tpu.sem_alloc : memref<!tpu.dma_semaphore, #tpu.memory_space<semaphore_mem>>
      %dma_start3A_61 = arith.constant 0 : i32
      %dma_start3A_62 = tpu.memref_slice %arg13[%add3A_26, %dma_start3A_61] : memref<10240x128xf32, #tpu.memory_space<vmem_shared>> -> memref<80x128xf32, #tpu.memory_space<vmem_shared>>
      %dma_start3A_63 = arith.constant 0 : i32
      %dma_start3A_64 = tpu.memref_slice %arg13[%add3A_26, %dma_start3A_63] : memref<10240x128xf32, #tpu.memory_space<vmem_shared>> -> memref<80x128xf32, #tpu.memory_space<vmem_shared>>
      tpu.enqueue_dma source(%arg10 : memref<80x128xf32, #tpu.memory_space<vmem>>) target(%dma_start3A_64 : memref<80x128xf32, #tpu.memory_space<vmem_shared>>) target_semaphore(%run_scoped3A : memref<!tpu.dma_semaphore, #tpu.memory_space<semaphore_mem>>)
      %dma_wait3A_65 = arith.constant 0 : i32
      %dma_wait3A_66 = tpu.memref_slice %arg13[%add3A_26, %dma_wait3A_65] : memref<10240x128xf32, #tpu.memory_space<vmem_shared>> -> memref<80x128xf32, #tpu.memory_space<vmem_shared>>
      %dma_wait3A_67 = arith.constant 0 : i32
      %dma_wait3A_68 = tpu.memref_slice %arg13[%add3A_26, %dma_wait3A_67] : memref<10240x128xf32, #tpu.memory_space<vmem_shared>> -> memref<80x128xf32, #tpu.memory_space<vmem_shared>>
      tpu.wait_dma2 semaphore(%run_scoped3A : memref<!tpu.dma_semaphore, #tpu.memory_space<semaphore_mem>>) src(%arg10 : memref<80x128xf32, #tpu.memory_space<vmem>>) dst(%dma_wait3A_68 : memref<80x128xf32, #tpu.memory_space<vmem_shared>>)
      tpu.yield
    }) : () -> ()
    %dma_wait3A = tpu.memref_slice %arg3[%mul3A_3] : memref<320000xi32, #tpu.memory_space<hbm>> -> memref<10000xi32, #tpu.memory_space<hbm>>
    %dma_wait3A_27 = tpu.memref_slice %arg3[%mul3A_3] : memref<320000xi32, #tpu.memory_space<hbm>> -> memref<10000xi32, #tpu.memory_space<hbm>>
    tpu.wait_dma2 semaphore(%arg14 : memref<!tpu.dma_semaphore, #tpu.memory_space<semaphore_mem>>) src(%dma_wait3A_27 : memref<10000xi32, #tpu.memory_space<hbm>>) dst(%arg6 : memref<10000xi32, #tpu.memory_space<vmem>>)
    %barrier3A = arith.constant 0 : index
    tpu.barrier barrier_id(%barrier3A)
    %add3A_28 = arith.constant 0 : i32
    %add3A_29 = arith.addi %mul3A_3, %add3A_28 : i32
    %dma_start3A_30 = tpu.memref_slice %arg4[%add3A_29] : memref<320000xi32, #tpu.memory_space<hbm>> -> memref<80xi32, #tpu.memory_space<hbm>>
    %dma_start3A_31 = tpu.memref_slice %arg4[%add3A_29] : memref<320000xi32, #tpu.memory_space<hbm>> -> memref<80xi32, #tpu.memory_space<hbm>>
    tpu.enqueue_dma source(%dma_start3A_31 : memref<80xi32, #tpu.memory_space<hbm>>) target(%arg7 : memref<80xi32, #tpu.memory_space<vmem>>) target_semaphore(%arg21 : memref<!tpu.dma_semaphore, #tpu.memory_space<semaphore_mem>>)
    %dma_start3A_32 = arith.constant 0 : i32
    %dma_start3A_33 = tpu.memref_slice %arg6[%dma_start3A_32] : memref<10000xi32, #tpu.memory_space<vmem>> -> memref<80xi32, #tpu.memory_space<vmem>>
    %dma_start3A_34 = arith.constant 0 : i32
    %dma_start3A_35 = arith.constant 0 : i32
    %dma_start3A_36 = tpu.memref_slice %arg2[%dma_start3A_34, %dma_start3A_35] : memref<10000x128xf32, #tpu.memory_space<hbm>> -> memref<10000x128xf32, #tpu.memory_space<hbm>>
    tpu.enqueue_indirect_dma source(%dma_start3A_36 : memref<10000x128xf32, #tpu.memory_space<hbm>>) target(%arg10 : memref<80x128xf32, #tpu.memory_space<vmem>>) offsets(%dma_start3A_33 : memref<80xi32, #tpu.memory_space<vmem>>) semaphore(%arg15 : memref<!tpu.dma_semaphore, #tpu.memory_space<semaphore_mem>>)
    %add3A_37 = arith.constant 80 : i32
    %add3A_38 = arith.addi %mul3A_3, %add3A_37 : i32
    %dma_start3A_39 = tpu.memref_slice %arg4[%add3A_38] : memref<320000xi32, #tpu.memory_space<hbm>> -> memref<80xi32, #tpu.memory_space<hbm>>
    %dma_start3A_40 = tpu.memref_slice %arg4[%add3A_38] : memref<320000xi32, #tpu.memory_space<hbm>> -> memref<80xi32, #tpu.memory_space<hbm>>
    tpu.enqueue_dma source(%dma_start3A_40 : memref<80xi32, #tpu.memory_space<hbm>>) target(%arg8 : memref<80xi32, #tpu.memory_space<vmem>>) target_semaphore(%arg22 : memref<!tpu.dma_semaphore, #tpu.memory_space<semaphore_mem>>)
    %dma_start3A_41 = arith.constant 80 : i32
    %dma_start3A_42 = tpu.memref_slice %arg6[%dma_start3A_41] : memref<10000xi32, #tpu.memory_space<vmem>> -> memref<80xi32, #tpu.memory_space<vmem>>
    %dma_start3A_43 = arith.constant 0 : i32
    %dma_start3A_44 = arith.constant 0 : i32
    %dma_start3A_45 = tpu.memref_slice %arg2[%dma_start3A_43, %dma_start3A_44] : memref<10000x128xf32, #tpu.memory_space<hbm>> -> memref<10000x128xf32, #tpu.memory_space<hbm>>
    tpu.enqueue_indirect_dma source(%dma_start3A_45 : memref<10000x128xf32, #tpu.memory_space<hbm>>) target(%arg11 : memref<80x128xf32, #tpu.memory_space<vmem>>) offsets(%dma_start3A_42 : memref<80xi32, #tpu.memory_space<vmem>>) semaphore(%arg16 : memref<!tpu.dma_semaphore, #tpu.memory_space<semaphore_mem>>)
    %scan3A_46 = arith.constant 0 : i32
    %scan3A_47 = arith.constant 42 : i32
    %scan3A_48 = arith.addi %scan3A_46, %scan3A_47 : i32
    %scan3A_49 = arith.constant 1 : i32
    scf.for %scan3A_61 = %scan3A_46 to %scan3A_48 step %scan3A_49  : i32 {
      %mul3A_62 = arith.constant 3 : i32
      %mul3A_63 = arith.muli %scan3A_61, %mul3A_62 : i32
      %add3A_64 = arith.constant 0 : i32
      %add3A_65 = arith.addi %mul3A_63, %add3A_64 : i32
      %lt3A = arith.constant 125 : i32
      %lt3A_66 = arith.cmpi slt, %add3A_65, %lt3A : i32
      %convert_element_type3A = arith.extui %lt3A_66 : i1 to i32
      %cond3A = arith.constant 0 : i32
      %cond3A_67 = arith.cmpi ne, %convert_element_type3A, %cond3A : i32
      scf.if %cond3A_67 {
        %mul3A_86 = arith.constant 80 : i32
        %mul3A_87 = arith.muli %add3A_65, %mul3A_86 : i32
        %dma_wait3A_88 = tpu.memref_slice %arg6[%mul3A_87] : memref<10000xi32, #tpu.memory_space<vmem>> -> memref<80xi32, #tpu.memory_space<vmem>>
        %dma_wait3A_89 = arith.constant 0 : i32
        %dma_wait3A_90 = arith.constant 0 : i32
        %dma_wait3A_91 = tpu.memref_slice %arg2[%dma_wait3A_89, %dma_wait3A_90] : memref<10000x128xf32, #tpu.memory_space<hbm>> -> memref<10000x128xf32, #tpu.memory_space<hbm>>
        tpu.wait_indirect_dma semaphore(%arg15 : memref<!tpu.dma_semaphore, #tpu.memory_space<semaphore_mem>>) src(%dma_wait3A_91 : memref<10000x128xf32, #tpu.memory_space<hbm>>) dst(%arg10 : memref<80x128xf32, #tpu.memory_space<vmem>>)
        %mul3A_92 = arith.constant 80 : i32
        %mul3A_93 = arith.muli %add3A_65, %mul3A_92 : i32
        %add3A_94 = arith.addi %mul3A_3, %mul3A_93 : i32
        %dma_wait3A_95 = tpu.memref_slice %arg4[%add3A_94] : memref<320000xi32, #tpu.memory_space<hbm>> -> memref<80xi32, #tpu.memory_space<hbm>>
        %dma_wait3A_96 = tpu.memref_slice %arg4[%add3A_94] : memref<320000xi32, #tpu.memory_space<hbm>> -> memref<80xi32, #tpu.memory_space<hbm>>
        tpu.wait_dma2 semaphore(%arg21 : memref<!tpu.dma_semaphore, #tpu.memory_space<semaphore_mem>>) src(%dma_wait3A_96 : memref<80xi32, #tpu.memory_space<hbm>>) dst(%arg7 : memref<80xi32, #tpu.memory_space<vmem>>)
        %dma_start3A_97 = arith.constant 0 : i32
        %dma_start3A_98 = arith.constant 0 : i32
        %dma_start3A_99 = tpu.memref_slice %arg13[%dma_start3A_97, %dma_start3A_98] : memref<10240x128xf32, #tpu.memory_space<vmem_shared>> -> memref<10240x128xf32, #tpu.memory_space<vmem_shared>>
        tpu.enqueue_indirect_dma source(%arg10 : memref<80x128xf32, #tpu.memory_space<vmem>>) target(%dma_start3A_99 : memref<10240x128xf32, #tpu.memory_space<vmem_shared>>) offsets(%arg7 : memref<80xi32, #tpu.memory_space<vmem>>) semaphore(%arg18 : memref<!tpu.dma_semaphore, #tpu.memory_space<semaphore_mem>>) {add = true}
        %add3A_100 = arith.constant 2 : i32
        %add3A_101 = arith.addi %add3A_65, %add3A_100 : i32
        %lt3A_102 = arith.constant 125 : i32
        %lt3A_103 = arith.cmpi slt, %add3A_101, %lt3A_102 : i32
        %convert_element_type3A_104 = arith.extui %lt3A_103 : i1 to i32
        %cond3A_105 = arith.constant 0 : i32
        %cond3A_106 = arith.cmpi ne, %convert_element_type3A_104, %cond3A_105 : i32
        scf.if %cond3A_106 {
          %ge3A = arith.constant 1 : i32
          %ge3A_107 = arith.cmpi sge, %add3A_65, %ge3A : i32
          %convert_element_type3A_108 = arith.extui %ge3A_107 : i1 to i32
          %cond3A_109 = arith.constant 0 : i32
          %cond3A_110 = arith.cmpi ne, %convert_element_type3A_108, %cond3A_109 : i32
          scf.if %cond3A_110 {
            %dma_wait3A_124 = arith.constant 0 : i32
            %dma_wait3A_125 = arith.constant 0 : i32
            %dma_wait3A_126 = tpu.memref_slice %arg13[%dma_wait3A_124, %dma_wait3A_125] : memref<10240x128xf32, #tpu.memory_space<vmem_shared>> -> memref<10240x128xf32, #tpu.memory_space<vmem_shared>>
            tpu.wait_indirect_dma semaphore(%arg20 : memref<!tpu.dma_semaphore, #tpu.memory_space<semaphore_mem>>) src(%arg12 : memref<80x128xf32, #tpu.memory_space<vmem>>) dst(%dma_wait3A_126 : memref<10240x128xf32, #tpu.memory_space<vmem_shared>>)
          } else {
          }
          %add3A_111 = arith.constant 2 : i32
          %add3A_112 = arith.addi %add3A_65, %add3A_111 : i32
          %mul3A_113 = arith.constant 80 : i32
          %mul3A_114 = arith.muli %add3A_112, %mul3A_113 : i32
          %add3A_115 = arith.addi %mul3A_3, %mul3A_114 : i32
          %dma_start3A_116 = tpu.memref_slice %arg4[%add3A_115] : memref<320000xi32, #tpu.memory_space<hbm>> -> memref<80xi32, #tpu.memory_space<hbm>>
          %dma_start3A_117 = tpu.memref_slice %arg4[%add3A_115] : memref<320000xi32, #tpu.memory_space<hbm>> -> memref<80xi32, #tpu.memory_space<hbm>>
          tpu.enqueue_dma source(%dma_start3A_117 : memref<80xi32, #tpu.memory_space<hbm>>) target(%arg9 : memref<80xi32, #tpu.memory_space<vmem>>) target_semaphore(%arg23 : memref<!tpu.dma_semaphore, #tpu.memory_space<semaphore_mem>>)
          %mul3A_118 = arith.constant 80 : i32
          %mul3A_119 = arith.muli %add3A_112, %mul3A_118 : i32
          %dma_start3A_120 = tpu.memref_slice %arg6[%mul3A_119] : memref<10000xi32, #tpu.memory_space<vmem>> -> memref<80xi32, #tpu.memory_space<vmem>>
          %dma_start3A_121 = arith.constant 0 : i32
          %dma_start3A_122 = arith.constant 0 : i32
          %dma_start3A_123 = tpu.memref_slice %arg2[%dma_start3A_121, %dma_start3A_122] : memref<10000x128xf32, #tpu.memory_space<hbm>> -> memref<10000x128xf32, #tpu.memory_space<hbm>>
          tpu.enqueue_indirect_dma source(%dma_start3A_123 : memref<10000x128xf32, #tpu.memory_space<hbm>>) target(%arg12 : memref<80x128xf32, #tpu.memory_space<vmem>>) offsets(%dma_start3A_120 : memref<80xi32, #tpu.memory_space<vmem>>) semaphore(%arg17 : memref<!tpu.dma_semaphore, #tpu.memory_space<semaphore_mem>>)
        } else {
        }
      } else {
      }
      %mul3A_68 = arith.constant 3 : i32
      %mul3A_69 = arith.muli %scan3A_61, %mul3A_68 : i32
      %add3A_70 = arith.constant 1 : i32
      %add3A_71 = arith.addi %mul3A_69, %add3A_70 : i32
      %lt3A_72 = arith.constant 125 : i32
      %lt3A_73 = arith.cmpi slt, %add3A_71, %lt3A_72 : i32
      %convert_element_type3A_74 = arith.extui %lt3A_73 : i1 to i32
      %cond3A_75 = arith.constant 0 : i32
      %cond3A_76 = arith.cmpi ne, %convert_element_type3A_74, %cond3A_75 : i32
      scf.if %cond3A_76 {
        %mul3A_86 = arith.constant 80 : i32
        %mul3A_87 = arith.muli %add3A_71, %mul3A_86 : i32
        %dma_wait3A_88 = tpu.memref_slice %arg6[%mul3A_87] : memref<10000xi32, #tpu.memory_space<vmem>> -> memref<80xi32, #tpu.memory_space<vmem>>
        %dma_wait3A_89 = arith.constant 0 : i32
        %dma_wait3A_90 = arith.constant 0 : i32
        %dma_wait3A_91 = tpu.memref_slice %arg2[%dma_wait3A_89, %dma_wait3A_90] : memref<10000x128xf32, #tpu.memory_space<hbm>> -> memref<10000x128xf32, #tpu.memory_space<hbm>>
        tpu.wait_indirect_dma semaphore(%arg16 : memref<!tpu.dma_semaphore, #tpu.memory_space<semaphore_mem>>) src(%dma_wait3A_91 : memref<10000x128xf32, #tpu.memory_space<hbm>>) dst(%arg11 : memref<80x128xf32, #tpu.memory_space<vmem>>)
        %mul3A_92 = arith.constant 80 : i32
        %mul3A_93 = arith.muli %add3A_71, %mul3A_92 : i32
        %add3A_94 = arith.addi %mul3A_3, %mul3A_93 : i32
        %dma_wait3A_95 = tpu.memref_slice %arg4[%add3A_94] : memref<320000xi32, #tpu.memory_space<hbm>> -> memref<80xi32, #tpu.memory_space<hbm>>
        %dma_wait3A_96 = tpu.memref_slice %arg4[%add3A_94] : memref<320000xi32, #tpu.memory_space<hbm>> -> memref<80xi32, #tpu.memory_space<hbm>>
        tpu.wait_dma2 semaphore(%arg22 : memref<!tpu.dma_semaphore, #tpu.memory_space<semaphore_mem>>) src(%dma_wait3A_96 : memref<80xi32, #tpu.memory_space<hbm>>) dst(%arg8 : memref<80xi32, #tpu.memory_space<vmem>>)
        %dma_start3A_97 = arith.constant 0 : i32
        %dma_start3A_98 = arith.constant 0 : i32
        %dma_start3A_99 = tpu.memref_slice %arg13[%dma_start3A_97, %dma_start3A_98] : memref<10240x128xf32, #tpu.memory_space<vmem_shared>> -> memref<10240x128xf32, #tpu.memory_space<vmem_shared>>
        tpu.enqueue_indirect_dma source(%arg11 : memref<80x128xf32, #tpu.memory_space<vmem>>) target(%dma_start3A_99 : memref<10240x128xf32, #tpu.memory_space<vmem_shared>>) offsets(%arg8 : memref<80xi32, #tpu.memory_space<vmem>>) semaphore(%arg19 : memref<!tpu.dma_semaphore, #tpu.memory_space<semaphore_mem>>) {add = true}
        %add3A_100 = arith.constant 2 : i32
        %add3A_101 = arith.addi %add3A_71, %add3A_100 : i32
        %lt3A_102 = arith.constant 125 : i32
        %lt3A_103 = arith.cmpi slt, %add3A_101, %lt3A_102 : i32
        %convert_element_type3A_104 = arith.extui %lt3A_103 : i1 to i32
        %cond3A_105 = arith.constant 0 : i32
        %cond3A_106 = arith.cmpi ne, %convert_element_type3A_104, %cond3A_105 : i32
        scf.if %cond3A_106 {
          %ge3A = arith.constant 1 : i32
          %ge3A_107 = arith.cmpi sge, %add3A_71, %ge3A : i32
          %convert_element_type3A_108 = arith.extui %ge3A_107 : i1 to i32
          %cond3A_109 = arith.constant 0 : i32
          %cond3A_110 = arith.cmpi ne, %convert_element_type3A_108, %cond3A_109 : i32
          scf.if %cond3A_110 {
            %dma_wait3A_124 = arith.constant 0 : i32
            %dma_wait3A_125 = arith.constant 0 : i32
            %dma_wait3A_126 = tpu.memref_slice %arg13[%dma_wait3A_124, %dma_wait3A_125] : memref<10240x128xf32, #tpu.memory_space<vmem_shared>> -> memref<10240x128xf32, #tpu.memory_space<vmem_shared>>
            tpu.wait_indirect_dma semaphore(%arg18 : memref<!tpu.dma_semaphore, #tpu.memory_space<semaphore_mem>>) src(%arg10 : memref<80x128xf32, #tpu.memory_space<vmem>>) dst(%dma_wait3A_126 : memref<10240x128xf32, #tpu.memory_space<vmem_shared>>)
          } else {
          }
          %add3A_111 = arith.constant 2 : i32
          %add3A_112 = arith.addi %add3A_71, %add3A_111 : i32
          %mul3A_113 = arith.constant 80 : i32
          %mul3A_114 = arith.muli %add3A_112, %mul3A_113 : i32
          %add3A_115 = arith.addi %mul3A_3, %mul3A_114 : i32
          %dma_start3A_116 = tpu.memref_slice %arg4[%add3A_115] : memref<320000xi32, #tpu.memory_space<hbm>> -> memref<80xi32, #tpu.memory_space<hbm>>
          %dma_start3A_117 = tpu.memref_slice %arg4[%add3A_115] : memref<320000xi32, #tpu.memory_space<hbm>> -> memref<80xi32, #tpu.memory_space<hbm>>
          tpu.enqueue_dma source(%dma_start3A_117 : memref<80xi32, #tpu.memory_space<hbm>>) target(%arg7 : memref<80xi32, #tpu.memory_space<vmem>>) target_semaphore(%arg21 : memref<!tpu.dma_semaphore, #tpu.memory_space<semaphore_mem>>)
          %mul3A_118 = arith.constant 80 : i32
          %mul3A_119 = arith.muli %add3A_112, %mul3A_118 : i32
          %dma_start3A_120 = tpu.memref_slice %arg6[%mul3A_119] : memref<10000xi32, #tpu.memory_space<vmem>> -> memref<80xi32, #tpu.memory_space<vmem>>
          %dma_start3A_121 = arith.constant 0 : i32
          %dma_start3A_122 = arith.constant 0 : i32
          %dma_start3A_123 = tpu.memref_slice %arg2[%dma_start3A_121, %dma_start3A_122] : memref<10000x128xf32, #tpu.memory_space<hbm>> -> memref<10000x128xf32, #tpu.memory_space<hbm>>
          tpu.enqueue_indirect_dma source(%dma_start3A_123 : memref<10000x128xf32, #tpu.memory_space<hbm>>) target(%arg10 : memref<80x128xf32, #tpu.memory_space<vmem>>) offsets(%dma_start3A_120 : memref<80xi32, #tpu.memory_space<vmem>>) semaphore(%arg15 : memref<!tpu.dma_semaphore, #tpu.memory_space<semaphore_mem>>)
        } else {
        }
      } else {
      }
      %mul3A_77 = arith.constant 3 : i32
      %mul3A_78 = arith.muli %scan3A_61, %mul3A_77 : i32
      %add3A_79 = arith.constant 2 : i32
      %add3A_80 = arith.addi %mul3A_78, %add3A_79 : i32
      %lt3A_81 = arith.constant 125 : i32
      %lt3A_82 = arith.cmpi slt, %add3A_80, %lt3A_81 : i32
      %convert_element_type3A_83 = arith.extui %lt3A_82 : i1 to i32
      %cond3A_84 = arith.constant 0 : i32
      %cond3A_85 = arith.cmpi ne, %convert_element_type3A_83, %cond3A_84 : i32
      scf.if %cond3A_85 {
        %mul3A_86 = arith.constant 80 : i32
        %mul3A_87 = arith.muli %add3A_80, %mul3A_86 : i32
        %dma_wait3A_88 = tpu.memref_slice %arg6[%mul3A_87] : memref<10000xi32, #tpu.memory_space<vmem>> -> memref<80xi32, #tpu.memory_space<vmem>>
        %dma_wait3A_89 = arith.constant 0 : i32
        %dma_wait3A_90 = arith.constant 0 : i32
        %dma_wait3A_91 = tpu.memref_slice %arg2[%dma_wait3A_89, %dma_wait3A_90] : memref<10000x128xf32, #tpu.memory_space<hbm>> -> memref<10000x128xf32, #tpu.memory_space<hbm>>
        tpu.wait_indirect_dma semaphore(%arg17 : memref<!tpu.dma_semaphore, #tpu.memory_space<semaphore_mem>>) src(%dma_wait3A_91 : memref<10000x128xf32, #tpu.memory_space<hbm>>) dst(%arg12 : memref<80x128xf32, #tpu.memory_space<vmem>>)
        %mul3A_92 = arith.constant 80 : i32
        %mul3A_93 = arith.muli %add3A_80, %mul3A_92 : i32
        %add3A_94 = arith.addi %mul3A_3, %mul3A_93 : i32
        %dma_wait3A_95 = tpu.memref_slice %arg4[%add3A_94] : memref<320000xi32, #tpu.memory_space<hbm>> -> memref<80xi32, #tpu.memory_space<hbm>>
        %dma_wait3A_96 = tpu.memref_slice %arg4[%add3A_94] : memref<320000xi32, #tpu.memory_space<hbm>> -> memref<80xi32, #tpu.memory_space<hbm>>
        tpu.wait_dma2 semaphore(%arg23 : memref<!tpu.dma_semaphore, #tpu.memory_space<semaphore_mem>>) src(%dma_wait3A_96 : memref<80xi32, #tpu.memory_space<hbm>>) dst(%arg9 : memref<80xi32, #tpu.memory_space<vmem>>)
        %dma_start3A_97 = arith.constant 0 : i32
        %dma_start3A_98 = arith.constant 0 : i32
        %dma_start3A_99 = tpu.memref_slice %arg13[%dma_start3A_97, %dma_start3A_98] : memref<10240x128xf32, #tpu.memory_space<vmem_shared>> -> memref<10240x128xf32, #tpu.memory_space<vmem_shared>>
        tpu.enqueue_indirect_dma source(%arg12 : memref<80x128xf32, #tpu.memory_space<vmem>>) target(%dma_start3A_99 : memref<10240x128xf32, #tpu.memory_space<vmem_shared>>) offsets(%arg9 : memref<80xi32, #tpu.memory_space<vmem>>) semaphore(%arg20 : memref<!tpu.dma_semaphore, #tpu.memory_space<semaphore_mem>>) {add = true}
        %add3A_100 = arith.constant 2 : i32
        %add3A_101 = arith.addi %add3A_80, %add3A_100 : i32
        %lt3A_102 = arith.constant 125 : i32
        %lt3A_103 = arith.cmpi slt, %add3A_101, %lt3A_102 : i32
        %convert_element_type3A_104 = arith.extui %lt3A_103 : i1 to i32
        %cond3A_105 = arith.constant 0 : i32
        %cond3A_106 = arith.cmpi ne, %convert_element_type3A_104, %cond3A_105 : i32
        scf.if %cond3A_106 {
          %ge3A = arith.constant 1 : i32
          %ge3A_107 = arith.cmpi sge, %add3A_80, %ge3A : i32
          %convert_element_type3A_108 = arith.extui %ge3A_107 : i1 to i32
          %cond3A_109 = arith.constant 0 : i32
          %cond3A_110 = arith.cmpi ne, %convert_element_type3A_108, %cond3A_109 : i32
          scf.if %cond3A_110 {
            %dma_wait3A_124 = arith.constant 0 : i32
            %dma_wait3A_125 = arith.constant 0 : i32
            %dma_wait3A_126 = tpu.memref_slice %arg13[%dma_wait3A_124, %dma_wait3A_125] : memref<10240x128xf32, #tpu.memory_space<vmem_shared>> -> memref<10240x128xf32, #tpu.memory_space<vmem_shared>>
            tpu.wait_indirect_dma semaphore(%arg19 : memref<!tpu.dma_semaphore, #tpu.memory_space<semaphore_mem>>) src(%arg11 : memref<80x128xf32, #tpu.memory_space<vmem>>) dst(%dma_wait3A_126 : memref<10240x128xf32, #tpu.memory_space<vmem_shared>>)
          } else {
          }
          %add3A_111 = arith.constant 2 : i32
          %add3A_112 = arith.addi %add3A_80, %add3A_111 : i32
          %mul3A_113 = arith.constant 80 : i32
          %mul3A_114 = arith.muli %add3A_112, %mul3A_113 : i32
          %add3A_115 = arith.addi %mul3A_3, %mul3A_114 : i32
          %dma_start3A_116 = tpu.memref_slice %arg4[%add3A_115] : memref<320000xi32, #tpu.memory_space<hbm>> -> memref<80xi32, #tpu.memory_space<hbm>>
          %dma_start3A_117 = tpu.memref_slice %arg4[%add3A_115] : memref<320000xi32, #tpu.memory_space<hbm>> -> memref<80xi32, #tpu.memory_space<hbm>>
          tpu.enqueue_dma source(%dma_start3A_117 : memref<80xi32, #tpu.memory_space<hbm>>) target(%arg8 : memref<80xi32, #tpu.memory_space<vmem>>) target_semaphore(%arg22 : memref<!tpu.dma_semaphore, #tpu.memory_space<semaphore_mem>>)
          %mul3A_118 = arith.constant 80 : i32
          %mul3A_119 = arith.muli %add3A_112, %mul3A_118 : i32
          %dma_start3A_120 = tpu.memref_slice %arg6[%mul3A_119] : memref<10000xi32, #tpu.memory_space<vmem>> -> memref<80xi32, #tpu.memory_space<vmem>>
          %dma_start3A_121 = arith.constant 0 : i32
          %dma_start3A_122 = arith.constant 0 : i32
          %dma_start3A_123 = tpu.memref_slice %arg2[%dma_start3A_121, %dma_start3A_122] : memref<10000x128xf32, #tpu.memory_space<hbm>> -> memref<10000x128xf32, #tpu.memory_space<hbm>>
          tpu.enqueue_indirect_dma source(%dma_start3A_123 : memref<10000x128xf32, #tpu.memory_space<hbm>>) target(%arg11 : memref<80x128xf32, #tpu.memory_space<vmem>>) offsets(%dma_start3A_120 : memref<80xi32, #tpu.memory_space<vmem>>) semaphore(%arg16 : memref<!tpu.dma_semaphore, #tpu.memory_space<semaphore_mem>>)
        } else {
        }
      } else {
      }
    }
    %scan3A_50 = arith.constant 42 : i32
    %dma_wait3A_51 = arith.constant 0 : i32
    %dma_wait3A_52 = arith.constant 0 : i32
    %dma_wait3A_53 = tpu.memref_slice %arg13[%dma_wait3A_51, %dma_wait3A_52] : memref<10240x128xf32, #tpu.memory_space<vmem_shared>> -> memref<10240x128xf32, #tpu.memory_space<vmem_shared>>
    tpu.wait_indirect_dma semaphore(%arg20 : memref<!tpu.dma_semaphore, #tpu.memory_space<semaphore_mem>>) src(%arg12 : memref<80x128xf32, #tpu.memory_space<vmem>>) dst(%dma_wait3A_53 : memref<10240x128xf32, #tpu.memory_space<vmem_shared>>)
    %dma_wait3A_54 = arith.constant 0 : i32
    %dma_wait3A_55 = arith.constant 0 : i32
    %dma_wait3A_56 = tpu.memref_slice %arg13[%dma_wait3A_54, %dma_wait3A_55] : memref<10240x128xf32, #tpu.memory_space<vmem_shared>> -> memref<10240x128xf32, #tpu.memory_space<vmem_shared>>
    tpu.wait_indirect_dma semaphore(%arg18 : memref<!tpu.dma_semaphore, #tpu.memory_space<semaphore_mem>>) src(%arg10 : memref<80x128xf32, #tpu.memory_space<vmem>>) dst(%dma_wait3A_56 : memref<10240x128xf32, #tpu.memory_space<vmem_shared>>)
    %dma_wait3A_57 = arith.constant 0 : i32
    %dma_wait3A_58 = arith.constant 0 : i32
    %dma_wait3A_59 = tpu.memref_slice %arg13[%dma_wait3A_57, %dma_wait3A_58] : memref<10240x128xf32, #tpu.memory_space<vmem_shared>> -> memref<10240x128xf32, #tpu.memory_space<vmem_shared>>
    tpu.wait_indirect_dma semaphore(%arg19 : memref<!tpu.dma_semaphore, #tpu.memory_space<semaphore_mem>>) src(%arg11 : memref<80x128xf32, #tpu.memory_space<vmem>>) dst(%dma_wait3A_59 : memref<10240x128xf32, #tpu.memory_space<vmem_shared>>)
    %barrier3A_60 = arith.constant 0 : index
    tpu.barrier barrier_id(%barrier3A_60)
    "tpu.region"() ({
      %run_scoped3A = tpu.sem_alloc : memref<!tpu.dma_semaphore, #tpu.memory_space<semaphore_mem>>
      %dma_start3A_61 = arith.constant 0 : i32
      %dma_start3A_62 = tpu.memref_slice %arg5[%arg0, %mul3A_10, %dma_start3A_61] : memref<2x10240x128xf32, #tpu.memory_space<hbm>> -> memref<1x640x128xf32, #tpu.memory_space<hbm>>
      %dma_start3A_63 = tpu.memref_squeeze %dma_start3A_62 : memref<1x640x128xf32, #tpu.memory_space<hbm>> -> memref<640x128xf32, #tpu.memory_space<hbm>>
      %dma_start3A_64 = arith.constant 0 : i32
      %dma_start3A_65 = tpu.memref_slice %arg13[%mul3A_10, %dma_start3A_64] : memref<10240x128xf32, #tpu.memory_space<vmem_shared>> -> memref<640x128xf32, #tpu.memory_space<vmem_shared>>
      tpu.enqueue_dma source(%dma_start3A_65 : memref<640x128xf32, #tpu.memory_space<vmem_shared>>) target(%dma_start3A_63 : memref<640x128xf32, #tpu.memory_space<hbm>>) target_semaphore(%run_scoped3A : memref<!tpu.dma_semaphore, #tpu.memory_space<semaphore_mem>>)
      %dma_wait3A_66 = arith.constant 0 : i32
      %dma_wait3A_67 = tpu.memref_slice %arg5[%arg0, %mul3A_10, %dma_wait3A_66] : memref<2x10240x128xf32, #tpu.memory_space<hbm>> -> memref<1x640x128xf32, #tpu.memory_space<hbm>>
      %dma_wait3A_68 = tpu.memref_squeeze %dma_wait3A_67 : memref<1x640x128xf32, #tpu.memory_space<hbm>> -> memref<640x128xf32, #tpu.memory_space<hbm>>
      %dma_wait3A_69 = arith.constant 0 : i32
      %dma_wait3A_70 = tpu.memref_slice %arg13[%mul3A_10, %dma_wait3A_69] : memref<10240x128xf32, #tpu.memory_space<vmem_shared>> -> memref<640x128xf32, #tpu.memory_space<vmem_shared>>
      tpu.wait_dma2 semaphore(%run_scoped3A : memref<!tpu.dma_semaphore, #tpu.memory_space<semaphore_mem>>) src(%dma_wait3A_70 : memref<640x128xf32, #tpu.memory_space<vmem_shared>>) dst(%dma_wait3A_68 : memref<640x128xf32, #tpu.memory_space<hbm>>)
      tpu.yield
    }) : () -> ()
    return
  }
}

module attributes {stable_mosaic.version = 14 : i64} {
  func.func @tc_sage_linear_relu(%arg0: i32, %arg1: memref<2x1000x128xf32, #tpu.memory_space<vmem>>, %arg2: memref<2x1000x128xf32, #tpu.memory_space<vmem>>, %arg3: memref<1000x128xf32, #tpu.memory_space<vmem>>, %arg4: memref<128x128xf32, #tpu.memory_space<vmem>>, %arg5: memref<1x128xf32, #tpu.memory_space<vmem>>, %arg6: memref<128x128xf32, #tpu.memory_space<vmem>>, %arg7: memref<1000x128xf32, #tpu.memory_space<vmem>>) attributes {dimension_semantics = [#tpu.dimension_semantics<arbitrary>], iteration_bounds = array<i64: 10>, scalar_prefetch = 0 : i64, scratch_operands = 0 : i64, tpu.core_type = #tpu.core_type<tc>, window_params = [{transform_indices = @transform_0, window_bounds = array<i64: 2, 1000, 128>}, {transform_indices = @transform_1, window_bounds = array<i64: 2, 1000, 128>}, {transform_indices = @transform_2, window_bounds = array<i64: 1000, 128>}, {pipeline_mode = #tpu.pipeline_mode<synchronous>, transform_indices = @transform_3, window_bounds = array<i64: 128, 128>}, {pipeline_mode = #tpu.pipeline_mode<synchronous>, transform_indices = @transform_4, window_bounds = array<i64: 1, 128>}, {pipeline_mode = #tpu.pipeline_mode<synchronous>, transform_indices = @transform_5, window_bounds = array<i64: 128, 128>}, {transform_indices = @transform_6, window_bounds = array<i64: 1000, 128>}]} {
    %get3A = arith.constant 0 : index
    %get3A_0 = arith.constant 0 : index
    %get3A_1 = arith.constant 0 : index
    %get3A_2 = vector.load %arg1[%get3A, %get3A_0, %get3A_1] : memref<2x1000x128xf32, #tpu.memory_space<vmem>>, vector<1x1000x128xf32>
    %get3A_3 = vector.shape_cast %get3A_2 : vector<1x1000x128xf32> to vector<1000x128xf32>
    %get3A_4 = arith.constant 1 : index
    %get3A_5 = arith.constant 0 : index
    %get3A_6 = arith.constant 0 : index
    %get3A_7 = vector.load %arg1[%get3A_4, %get3A_5, %get3A_6] : memref<2x1000x128xf32, #tpu.memory_space<vmem>>, vector<1x1000x128xf32>
    %get3A_8 = vector.shape_cast %get3A_7 : vector<1x1000x128xf32> to vector<1000x128xf32>
    %add3A = arith.addf %get3A_3, %get3A_8 : vector<1000x128xf32>
    %get3A_9 = arith.constant 0 : index
    %get3A_10 = arith.constant 0 : index
    %get3A_11 = arith.constant 0 : index
    %get3A_12 = vector.load %arg2[%get3A_9, %get3A_10, %get3A_11] : memref<2x1000x128xf32, #tpu.memory_space<vmem>>, vector<1x1000x1xf32>
    %get3A_13 = vector.shape_cast %get3A_12 : vector<1x1000x1xf32> to vector<1000x1xf32>
    %get3A_14 = arith.constant 1 : index
    %get3A_15 = arith.constant 0 : index
    %get3A_16 = arith.constant 0 : index
    %get3A_17 = vector.load %arg2[%get3A_14, %get3A_15, %get3A_16] : memref<2x1000x128xf32, #tpu.memory_space<vmem>>, vector<1x1000x1xf32>
    %get3A_18 = vector.shape_cast %get3A_17 : vector<1x1000x1xf32> to vector<1000x1xf32>
    %add3A_19 = arith.addf %get3A_13, %get3A_18 : vector<1000x1xf32>
    %max3A = arith.constant 1.000000e+00 : f32
    %max3A_20 = vector.broadcast %max3A : f32 to vector<1000x1xf32>
    %max3A_21 = arith.maximumf %add3A_19, %max3A_20 : vector<1000x1xf32>
    %div3A = vector.broadcast %max3A_21 : vector<1000x1xf32> to vector<1000x128xf32>
    %div3A_22 = arith.divf %add3A, %div3A : vector<1000x128xf32>
    %get3A_23 = arith.constant 0 : index
    %get3A_24 = arith.constant 0 : index
    %get3A_25 = vector.load %arg4[%get3A_23, %get3A_24] : memref<128x128xf32, #tpu.memory_space<vmem>>, vector<128x128xf32>
    %dot_general3A = arith.constant dense<0.000000e+00> : vector<1000x128xf32>
    %dot_general3A_26 = tpu.matmul %div3A_22, %get3A_25, %dot_general3A {dimension_numbers = #tpu.dot_dimension_numbers<[1], [0], [0], [1], [0, 0, 1, 1], [], []>, transpose_lhs_hint = false} : vector<1000x128xf32>, vector<128x128xf32>, vector<1000x128xf32> -> vector<1000x128xf32>
    %get3A_27 = arith.constant 0 : index
    %get3A_28 = arith.constant 0 : index
    %get3A_29 = vector.load %arg5[%get3A_27, %get3A_28] : memref<1x128xf32, #tpu.memory_space<vmem>>, vector<1x128xf32>
    %add3A_30 = vector.broadcast %get3A_29 : vector<1x128xf32> to vector<1000x128xf32>
    %add3A_31 = arith.addf %dot_general3A_26, %add3A_30 : vector<1000x128xf32>
    %get3A_32 = arith.constant 0 : index
    %get3A_33 = arith.constant 0 : index
    %get3A_34 = vector.load %arg3[%get3A_32, %get3A_33] : memref<1000x128xf32, #tpu.memory_space<vmem>>, vector<1000x128xf32>
    %get3A_35 = arith.constant 0 : index
    %get3A_36 = arith.constant 0 : index
    %get3A_37 = vector.load %arg6[%get3A_35, %get3A_36] : memref<128x128xf32, #tpu.memory_space<vmem>>, vector<128x128xf32>
    %dot_general3A_38 = arith.constant dense<0.000000e+00> : vector<1000x128xf32>
    %dot_general3A_39 = tpu.matmul %get3A_34, %get3A_37, %dot_general3A_38 {dimension_numbers = #tpu.dot_dimension_numbers<[1], [0], [0], [1], [0, 0, 1, 1], [], []>, transpose_lhs_hint = false} : vector<1000x128xf32>, vector<128x128xf32>, vector<1000x128xf32> -> vector<1000x128xf32>
    %add3A_40 = arith.addf %add3A_31, %dot_general3A_39 : vector<1000x128xf32>
    %max3A_41 = arith.constant 0.000000e+00 : f32
    %max3A_42 = vector.broadcast %max3A_41 : f32 to vector<1000x128xf32>
    %max3A_43 = arith.maximumf %add3A_40, %max3A_42 : vector<1000x128xf32>
    %swap3A = arith.constant 0 : index
    %swap3A_44 = arith.constant 0 : index
    %swap3A_45 = vector.load %arg7[%swap3A, %swap3A_44] : memref<1000x128xf32, #tpu.memory_space<vmem>>, vector<1000x128xf32>
    tpu.vector_store %arg7[%swap3A, %swap3A_44], %max3A_43 {strides = array<i32>} : memref<1000x128xf32, #tpu.memory_space<vmem>>, vector<1000x128xf32>,
    return
  }
  func.func @transform_0(%arg0: i32) -> (i32, i32, i32) {
    %c0_i32 = arith.constant 0 : i32
    %c0_i32_0 = arith.constant 0 : i32
    %c0_i32_1 = arith.constant 0 : i32
    return %c0_i32, %arg0, %c0_i32_0 : i32, i32, i32
  }
  func.func @transform_1(%arg0: i32) -> (i32, i32, i32) {
    %c0_i32 = arith.constant 0 : i32
    %c0_i32_0 = arith.constant 0 : i32
    %c0_i32_1 = arith.constant 0 : i32
    return %c0_i32, %arg0, %c0_i32_0 : i32, i32, i32
  }
  func.func @transform_2(%arg0: i32) -> (i32, i32) {
    %c0_i32 = arith.constant 0 : i32
    %c0_i32_0 = arith.constant 0 : i32
    return %arg0, %c0_i32 : i32, i32
  }
  func.func @transform_3(%arg0: i32) -> (i32, i32) {
    %c0_i32 = arith.constant 0 : i32
    %c0_i32_0 = arith.constant 0 : i32
    %c0_i32_1 = arith.constant 0 : i32
    return %c0_i32, %c0_i32_0 : i32, i32
  }
  func.func @transform_4(%arg0: i32) -> (i32, i32) {
    %c0_i32 = arith.constant 0 : i32
    %c0_i32_0 = arith.constant 0 : i32
    %c0_i32_1 = arith.constant 0 : i32
    return %c0_i32, %c0_i32_0 : i32, i32
  }
  func.func @transform_5(%arg0: i32) -> (i32, i32) {
    %c0_i32 = arith.constant 0 : i32
    %c0_i32_0 = arith.constant 0 : i32
    %c0_i32_1 = arith.constant 0 : i32
    return %c0_i32, %c0_i32_0 : i32, i32
  }
  func.func @transform_6(%arg0: i32) -> (i32, i32) {
    %c0_i32 = arith.constant 0 : i32
    %c0_i32_0 = arith.constant 0 : i32
    return %arg0, %c0_i32 : i32, i32
  }
}

module attributes {stable_mosaic.version = 14 : i64} {
  func.func @tc_sage_linear(%arg0: i32, %arg1: memref<2x1000x128xf32, #tpu.memory_space<vmem>>, %arg2: memref<2x1000x128xf32, #tpu.memory_space<vmem>>, %arg3: memref<1000x128xf32, #tpu.memory_space<vmem>>, %arg4: memref<128x128xf32, #tpu.memory_space<vmem>>, %arg5: memref<1x128xf32, #tpu.memory_space<vmem>>, %arg6: memref<128x128xf32, #tpu.memory_space<vmem>>, %arg7: memref<1000x128xf32, #tpu.memory_space<vmem>>) attributes {dimension_semantics = [#tpu.dimension_semantics<arbitrary>], iteration_bounds = array<i64: 10>, scalar_prefetch = 0 : i64, scratch_operands = 0 : i64, tpu.core_type = #tpu.core_type<tc>, window_params = [{transform_indices = @transform_0, window_bounds = array<i64: 2, 1000, 128>}, {transform_indices = @transform_1, window_bounds = array<i64: 2, 1000, 128>}, {transform_indices = @transform_2, window_bounds = array<i64: 1000, 128>}, {pipeline_mode = #tpu.pipeline_mode<synchronous>, transform_indices = @transform_3, window_bounds = array<i64: 128, 128>}, {pipeline_mode = #tpu.pipeline_mode<synchronous>, transform_indices = @transform_4, window_bounds = array<i64: 1, 128>}, {pipeline_mode = #tpu.pipeline_mode<synchronous>, transform_indices = @transform_5, window_bounds = array<i64: 128, 128>}, {transform_indices = @transform_6, window_bounds = array<i64: 1000, 128>}]} {
    %get3A = arith.constant 0 : index
    %get3A_0 = arith.constant 0 : index
    %get3A_1 = arith.constant 0 : index
    %get3A_2 = vector.load %arg1[%get3A, %get3A_0, %get3A_1] : memref<2x1000x128xf32, #tpu.memory_space<vmem>>, vector<1x1000x128xf32>
    %get3A_3 = vector.shape_cast %get3A_2 : vector<1x1000x128xf32> to vector<1000x128xf32>
    %get3A_4 = arith.constant 1 : index
    %get3A_5 = arith.constant 0 : index
    %get3A_6 = arith.constant 0 : index
    %get3A_7 = vector.load %arg1[%get3A_4, %get3A_5, %get3A_6] : memref<2x1000x128xf32, #tpu.memory_space<vmem>>, vector<1x1000x128xf32>
    %get3A_8 = vector.shape_cast %get3A_7 : vector<1x1000x128xf32> to vector<1000x128xf32>
    %add3A = arith.addf %get3A_3, %get3A_8 : vector<1000x128xf32>
    %get3A_9 = arith.constant 0 : index
    %get3A_10 = arith.constant 0 : index
    %get3A_11 = arith.constant 0 : index
    %get3A_12 = vector.load %arg2[%get3A_9, %get3A_10, %get3A_11] : memref<2x1000x128xf32, #tpu.memory_space<vmem>>, vector<1x1000x1xf32>
    %get3A_13 = vector.shape_cast %get3A_12 : vector<1x1000x1xf32> to vector<1000x1xf32>
    %get3A_14 = arith.constant 1 : index
    %get3A_15 = arith.constant 0 : index
    %get3A_16 = arith.constant 0 : index
    %get3A_17 = vector.load %arg2[%get3A_14, %get3A_15, %get3A_16] : memref<2x1000x128xf32, #tpu.memory_space<vmem>>, vector<1x1000x1xf32>
    %get3A_18 = vector.shape_cast %get3A_17 : vector<1x1000x1xf32> to vector<1000x1xf32>
    %add3A_19 = arith.addf %get3A_13, %get3A_18 : vector<1000x1xf32>
    %max3A = arith.constant 1.000000e+00 : f32
    %max3A_20 = vector.broadcast %max3A : f32 to vector<1000x1xf32>
    %max3A_21 = arith.maximumf %add3A_19, %max3A_20 : vector<1000x1xf32>
    %div3A = vector.broadcast %max3A_21 : vector<1000x1xf32> to vector<1000x128xf32>
    %div3A_22 = arith.divf %add3A, %div3A : vector<1000x128xf32>
    %get3A_23 = arith.constant 0 : index
    %get3A_24 = arith.constant 0 : index
    %get3A_25 = vector.load %arg4[%get3A_23, %get3A_24] : memref<128x128xf32, #tpu.memory_space<vmem>>, vector<128x128xf32>
    %dot_general3A = arith.constant dense<0.000000e+00> : vector<1000x128xf32>
    %dot_general3A_26 = tpu.matmul %div3A_22, %get3A_25, %dot_general3A {dimension_numbers = #tpu.dot_dimension_numbers<[1], [0], [0], [1], [0, 0, 1, 1], [], []>, transpose_lhs_hint = false} : vector<1000x128xf32>, vector<128x128xf32>, vector<1000x128xf32> -> vector<1000x128xf32>
    %get3A_27 = arith.constant 0 : index
    %get3A_28 = arith.constant 0 : index
    %get3A_29 = vector.load %arg5[%get3A_27, %get3A_28] : memref<1x128xf32, #tpu.memory_space<vmem>>, vector<1x128xf32>
    %add3A_30 = vector.broadcast %get3A_29 : vector<1x128xf32> to vector<1000x128xf32>
    %add3A_31 = arith.addf %dot_general3A_26, %add3A_30 : vector<1000x128xf32>
    %get3A_32 = arith.constant 0 : index
    %get3A_33 = arith.constant 0 : index
    %get3A_34 = vector.load %arg3[%get3A_32, %get3A_33] : memref<1000x128xf32, #tpu.memory_space<vmem>>, vector<1000x128xf32>
    %get3A_35 = arith.constant 0 : index
    %get3A_36 = arith.constant 0 : index
    %get3A_37 = vector.load %arg6[%get3A_35, %get3A_36] : memref<128x128xf32, #tpu.memory_space<vmem>>, vector<128x128xf32>
    %dot_general3A_38 = arith.constant dense<0.000000e+00> : vector<1000x128xf32>
    %dot_general3A_39 = tpu.matmul %get3A_34, %get3A_37, %dot_general3A_38 {dimension_numbers = #tpu.dot_dimension_numbers<[1], [0], [0], [1], [0, 0, 1, 1], [], []>, transpose_lhs_hint = false} : vector<1000x128xf32>, vector<128x128xf32>, vector<1000x128xf32> -> vector<1000x128xf32>
    %add3A_40 = arith.addf %add3A_31, %dot_general3A_39 : vector<1000x128xf32>
    %swap3A = arith.constant 0 : index
    %swap3A_41 = arith.constant 0 : index
    %swap3A_42 = vector.load %arg7[%swap3A, %swap3A_41] : memref<1000x128xf32, #tpu.memory_space<vmem>>, vector<1000x128xf32>
    tpu.vector_store %arg7[%swap3A, %swap3A_41], %add3A_40 {strides = array<i32>} : memref<1000x128xf32, #tpu.memory_space<vmem>>, vector<1000x128xf32>,
    return
  }
  func.func @transform_0(%arg0: i32) -> (i32, i32, i32) {
    %c0_i32 = arith.constant 0 : i32
    %c0_i32_0 = arith.constant 0 : i32
    %c0_i32_1 = arith.constant 0 : i32
    return %c0_i32, %arg0, %c0_i32_0 : i32, i32, i32
  }
  func.func @transform_1(%arg0: i32) -> (i32, i32, i32) {
    %c0_i32 = arith.constant 0 : i32
    %c0_i32_0 = arith.constant 0 : i32
    %c0_i32_1 = arith.constant 0 : i32
    return %c0_i32, %arg0, %c0_i32_0 : i32, i32, i32
  }
  func.func @transform_2(%arg0: i32) -> (i32, i32) {
    %c0_i32 = arith.constant 0 : i32
    %c0_i32_0 = arith.constant 0 : i32
    return %arg0, %c0_i32 : i32, i32
  }
  func.func @transform_3(%arg0: i32) -> (i32, i32) {
    %c0_i32 = arith.constant 0 : i32
    %c0_i32_0 = arith.constant 0 : i32
    %c0_i32_1 = arith.constant 0 : i32
    return %c0_i32, %c0_i32_0 : i32, i32
  }
  func.func @transform_4(%arg0: i32) -> (i32, i32) {
    %c0_i32 = arith.constant 0 : i32
    %c0_i32_0 = arith.constant 0 : i32
    %c0_i32_1 = arith.constant 0 : i32
    return %c0_i32, %c0_i32_0 : i32, i32
  }
  func.func @transform_5(%arg0: i32) -> (i32, i32) {
    %c0_i32 = arith.constant 0 : i32
    %c0_i32_0 = arith.constant 0 : i32
    %c0_i32_1 = arith.constant 0 : i32
    return %c0_i32, %c0_i32_0 : i32, i32
  }
  func.func @transform_6(%arg0: i32) -> (i32, i32) {
    %c0_i32 = arith.constant 0 : i32
    %c0_i32_0 = arith.constant 0 : i32
    return %arg0, %c0_i32 : i32, i32
  }
}

</mosaic_0001>

<sc_bundles>
// kernel: sc_sage_aggregate.3.cloned.1.call-start
scs
__scs_entry_jumppad:
0x0: {  	(pc) =	sbr.rel $0x88, $3  }
0x1: {  	(tag) =	ssettag $0x0;
	lr =	simm.s32 $0x1  }
0x2: {  	[smem:$0x3F99] =	sst lr;
	_ =	strace $0xD0000000  }
0x3: {  	_ = 	snop  }
0x4: {  	_ = 	snop  }
0x5: {  	_ = 	snop  }
0x6: {  	_ = 	snop  }
0x7: {  	_ = 	snop  }
__scs_overlays_trampoline_lowered:
0x8: {  	[smem:$0x3FA8] =	sst s0  }
0x9: {  	[smem:$0x3FA9] =	sst s1  }
0xa: {  	[smem:$0x3FAA] =	sst s2  }
0xb: {  	[smem:$0x3FAB] =	sst s3  }
0xc: {  	[smem:$0x3FAC] =	sst s4  }
0xd: {  	[smem:$0x3FAD] =	sst s5  }
0xe: {  	[smem:$0x3FAE] =	sst s6  }
0xf: {  	[smem:$0x3FAF] =	sst s7  }
0x10: {  	[smem:$0x3FB0] =	sst s8  }
0x11: {  	[smem:$0x3FB1] =	sst s9;
	s0 =	simm.s32 @!p0 $0x0  }
0x12: {  	s1 =	sld [smem:$0x3F97];
	s0 =	simm.s32 @p0 $0x1  }
0x13: {  	[smem:$0x3FB2] =	sst s0;
	s0 =	simm.s32 @!p1 $0x0  }
0x14: {  	s2 =	sld [smem:$0x3F96];
	s0 =	simm.s32 @p1 $0x1  }
0x15: {  	[smem:$0x3FB3] =	sst s0;
	s0 =	simm.s32 @!p2 $0x0  }
0x16: {  	s3 =	sld [smem:$0x3FDB];
	s0 =	simm.s32 @p2 $0x1  }
0x17: {  	s4 =	simm.s32 $0x1BF5;
	[smem:$0x3FB5] =	sst s0  }
0x18: {  	s0 =	sld [smem:$0x3F98];
	_ =	swait.ge [sflag:s4], $0x0  }
0x19: {  	s7 =	sld [smem:$0x3F99]  }
0x1a: {  	s8 =	sadd.s32 $0xFFFFE003, lr  }
0x1b: {  	s9 =	sadd.s32 $0xFFFFFEF7, lr;
	s5 =	simm.s32 $0xFFFFFFFF;
	p2 =	slt.u32 s8, $0xFFFFF086  }
0x1c: {  	p1 =	slt.u32 s9, $0xF7A;
	s5 =	simm.s32 @!p2 $0x0  }
0x1d: {  	s5 =	simm.s32 @p1 $0x1;
	p0 =	seq.s32 s7, s2  }
0x1e: {  	s7 =	smul.u32 @!p0 $0xF7A, s2;
	p2 =	seq.s32 @!p0 s5, $0x0  }
0x1f: {  	s9 =	smul.u32 $0xF7A, s1;
	s8 =	simm.s32 @!p0 $0x1BF5;
	p2 =	por !p2, p0  }
0x20: {  	[sflag:s8] =	ssyncset.s32 @!p0 $0xFFFFF086;
	s6 =	sadd.s32 @!p0 s3, s7;
	s7 =	simm.s32 @!p0 $0x108  }
0x21: {  	s3 =	sadd.s32 s3, s9;
	s6 =	sadd.s32 @!p0 $0x88, s6;
	s7 =	simm.s32 @p2 $0x1082  }
0x22: {  	[simem:s7], [sflag:s8] =	dma.local @!p0 [hbm:s6], $0xF7A  }
0x23: {  	s9 =	sor.u32 $0xD0000000, s2;
	s6 =	simm.s32 $0x108;
	_ =	swait.ge @!p0 [sflag:s8], $0x0  }
0x24: {  	s3 =	sadd.s32 $0x88, s3;
	s6 =	simm.s32 @!p1 $0x1082;
	[sflag:s4] =	ssyncset.s32 $0xFFFFF086  }
0x25: {  	[simem:s6], [sflag:s4] =	dma.local [hbm:s3], $0xF7A  }
0x26: {  	[smem:$0x3F99] =	sst s1;
	(tag) =	ssettag s2;
	_ =	strace s9  }
0x27: {  	s1 =	sld [smem:$0x3FA9]  }
0x28: {  	s2 =	sld [smem:$0x3FAA]  }
0x29: {  	s4 =	sld [smem:$0x3FAC]  }
0x2a: {  	p0 =	seq.s32 s5, $0x0;
	s5 =	sld [smem:$0x3FAD]  }
0x2b: {  	s6 =	sld [smem:$0x3FAE]  }
0x2c: {  	s7 =	sld [smem:$0x3FAF]  }
0x2d: {  	s3 =	simm.s32 $0x108;
	s8 =	sld [smem:$0x3FB0]  }
0x2e: {  	s3 =	simm.s32 @!p0 $0x1082;
	s9 =	sld [smem:$0x3FB1]  }
0x2f: {  	lr =	sadd.s32 s0, s3;
	s0 =	sld [smem:$0x3FA8]  }
0x30: {  	s3 =	sld [smem:$0x3FAB]  }
0x31: {  	[smem:$0x3FB4] =	sst s10  }
0x32: {  	s10 =	sld [smem:$0x3FB2];
	_ =	sdelay $0x3  }
0x33: {  	p0 =	seq.s32 s10, $0x1;
	s10 =	sld [smem:$0x3FB4];
	_ =	sdelay $0x3  }
0x34: {  	[smem:$0x3FB4] =	sst s10  }
0x35: {  	s10 =	sld [smem:$0x3FB3];
	_ =	sdelay $0x3  }
0x36: {  	p1 =	seq.s32 s10, $0x1;
	s10 =	sld [smem:$0x3FB4];
	_ =	sdelay $0x3  }
0x37: {  	[smem:$0x3FB4] =	sst s10  }
0x38: {  	s10 =	sld [smem:$0x3FB5]  }
0x39: {  	_ = 	snop;
	(pc) =	sbr.ind lr, $3  }
0x3a: {  	_ = 	snop  }
0x3b: {  	_ = 	snop  }
0x3c: {  	p2 =	seq.s32 s10, $0x1;
	s10 =	sld [smem:$0x3FB4]  }
0x3d: {  	_ =	shalt  }
0x3e: {  	_ =	shalt  }
0x3f: {  	_ =	shalt  }
0x40: {  	_ =	shalt  }
0x41: {  	_ =	shalt  }
0x42: {  	_ =	shalt  }
0x43: {  	_ =	shalt  }
0x44: {  	_ =	shalt  }
0x45: {  	_ =	shalt  }
0x46: {  	_ =	shalt  }
0x47: {  	_ =	shalt  }
0x48: {  	_ =	shalt  }
0x49: {  	_ =	shalt  }
0x4a: {  	_ =	shalt  }
0x4b: {  	_ =	shalt  }
0x4c: {  	_ =	shalt  }
0x4d: {  	_ =	shalt  }
0x4e: {  	_ =	shalt  }
0x4f: {  	_ =	shalt  }
0x50: {  	_ =	shalt  }
0x51: {  	_ =	shalt  }
0x52: {  	_ =	shalt  }
0x53: {  	_ =	shalt  }
0x54: {  	_ =	shalt  }
0x55: {  	_ =	shalt  }
0x56: {  	_ =	shalt  }
0x57: {  	_ =	shalt  }
0x58: {  	_ =	shalt  }
0x59: {  	_ =	shalt  }
0x5a: {  	_ =	shalt  }
0x5b: {  	_ =	shalt  }
0x5c: {  	_ =	shalt  }
0x5d: {  	_ =	shalt  }
0x5e: {  	_ =	shalt  }
0x5f: {  	_ =	shalt  }
0x60: {  	_ =	shalt  }
0x61: {  	_ =	shalt  }
0x62: {  	_ =	shalt  }
0x63: {  	_ =	shalt  }
0x64: {  	_ =	shalt  }
0x65: {  	_ =	shalt  }
0x66: {  	_ =	shalt  }
0x67: {  	_ =	shalt  }
0x68: {  	_ =	shalt  }
0x69: {  	_ =	shalt  }
0x6a: {  	_ =	shalt  }
0x6b: {  	_ =	shalt  }
0x6c: {  	_ =	shalt  }
0x6d: {  	_ =	shalt  }
0x6e: {  	_ =	shalt  }
0x6f: {  	_ =	shalt  }
0x70: {  	_ =	shalt  }
0x71: {  	_ =	shalt  }
0x72: {  	_ =	shalt  }
0x73: {  	_ =	shalt  }
0x74: {  	_ =	shalt  }
0x75: {  	_ =	shalt  }
0x76: {  	_ =	shalt  }
0x77: {  	_ =	shalt  }
0x78: {  	_ =	shalt  }
0x79: {  	_ =	shalt  }
0x7a: {  	_ =	shalt  }
0x7b: {  	_ =	shalt  }
0x7c: {  	_ =	shalt  }
0x7d: {  	_ =	shalt  }
0x7e: {  	_ =	shalt  }
0x7f: {  	_ =	shalt  }
0x80: {  	_ =	shalt  }
0x81: {  	_ =	shalt  }
0x82: {  	_ =	shalt  }
0x83: {  	_ =	shalt  }
0x84: {  	_ =	shalt  }
0x85: {  	_ =	shalt  }
0x86: {  	_ =	shalt  }
0x87: {  	_ =	shalt  }
.Lfunc_end0:
.L_simem_size_0:
called_computation.1_lowered:
.L_overlay_start_0:
0x88: {  	s2 =	sld [smem:$0x3FD9]  }
0x89: {  	s3 =	sld [smem:$0x3FFE];
	_ =	sdelay $0x1  }
0x8a: {  	s1 =	srdreg.scid  }
0x8b: {  	s0 =	sand.u32 $0x1, s1  }
0x8c: {  	s17 =	sshll.u32 s0, $0xA;
	s2 =	sadd.s32 s3, s2  }
0x8d: {  	s2 =	sadd.s32 s2, s17  }
0x8e: {  	[smem:$0x3FC0] =	sst s2  }
0x8f: {  	_ = 	snop  }
0x90: {  	s2 =	sld [smem:$0x3FD0];
	(tm) =	ssettm $0x1  }
0x91: {  	s18 =	sld [smem:$0x3FFB];
	_ =	sdelay $0x3  }
0x92: {  	_ =	strace s18  }
0x93: {  	s3 =	sld [smem:$0x3FFC];
	_ =	sdelay $0x3  }
0x94: {  	_ =	strace s3  }
0x95: {  	s3 =	sld [smem:$0x3FFD];
	_ =	sdelay $0x3  }
0x96: {  	_ =	strace s3  }
0x97: {  	_ =	strace $0x8FFFFFFF  }
0x98: {  	s19 =	sld [smem:$0x3FDB];
	_ =	sdelay $0x1  }
0x99: {  	s4 =	simm.s32 $_scs_section_size  }
0x9a: {  	s5 =	simm.s32 $_size__tile_overlayer_lowered;
	s6 =	simm.s32 $_tile_overlayer_lowered  }
0x9b: {  	s22 =	simm.s32 $0x1BFF;
	s21 =	sshll.u32 s6, $0x1;
	s3 =	sadd.s32 s4, s19  }
0x9c: {  	s7 =	simm.s32 $0x0;
	s20 =	sshll.u32 s5, $0x1;
	s5 =	sadd.s32 s21, s3  }
0x9d: {  	[timem:s7], [sflag:s22] =	dma.local [hbm:s5], s20  }
0x9e: {  	_ =	swait.ge [sflag:s22], s20  }
0x9f: {  	s4 =	ssub.s32 $0x0, s20;
	[sflag:s22] =	ssyncset.done $0x0  }
0xa0: {  	[sflag:s22] =	ssyncadd.s32 s4;
	_ =	sdelay $0x1  }
0xa1: {  	s23 =	simm.s32 $0x1B8B  }
0xa2: {  	_ =	swait.ge [sflag:s23], $0x1  }
0xa3: {  	[sflag:s23] =	ssyncset.done $0x0  }
0xa4: {  	s25 =	simm.s32 $0x1B8E;
	s24 =	sld [smem:$0x3FFE];
	[sflag:s23] =	ssyncadd.s32 $0xFFFFFFFF  }
0xa5: {  	s26 =	simm.s32 $execute0_lowered;
	[smem:$0x3FD2] =	sst s25  }
0xa6: {  	s5 =	sshll.u32 s26, $0x1;
	_ =	strace $0x80000049;
	[dreg:$0x1] =	wrdreg $0xFFFFFFFF  }
0xa7: {  	s28 =	simm.s32 $_size_execute0_lowered;
	s3 =	sadd.s32 s3, s5;
	[dreg:$0x0] =	wrdreg $0x0  }
0xa8: {  	s5 =	sshll.u32 s28, $0x1;
	[dreg:$0x2] =	wrdreg s3  }
0xa9: {  	[dreg:$0x3] =	wrdreg s5  }
0xaa: {  	[dreg:$0x4] =	wrdreg $0xC0  }
0xab: {  	_ =	task [dreg:s7], $0x5FFFF  }
0xac: {  	[dreg:$0x1] =	wrdreg $0xFFFFFFFF  }
0xad: {  	[dreg:$0x0] =	wrdreg $0x60  }
0xae: {  	[dreg:$0x2] =	wrdreg s2  }
0xaf: {  	[dreg:$0x3] =	wrdreg s24  }
0xb0: {  	[dreg:$0x4] =	wrdreg $0xA1000  }
0xb1: {  	[dreg:$0x5] =	wrdreg $0x9  }
0xb2: {  	_ =	task.clear_ibuf [dreg:s7], $0x6FFFF;
	_ =	strace $0x90000049  }
0xb3: {  	s29 =	simm.s32 $0x9;
	_ =	strace $0x8000004B  }
0xb4: {  	_ =	swait.ge [sflag:s29], $0x1  }
0xb5: {  	[sflag:s29] =	ssyncadd.s32 $0xFFFFFFFF  }
0xb6: {  	_ =	strace $0x9000004B  }
0xb7: {  	_ =	sfence  }
0xb8: {  	s30 =	sld [smem:$0x0];
	_ =	sdelay $0x2  }
0xb9: {  	s31 =	sshll.u32 s1, $0xD;
	s1 =	sshrl.u32 s1, $0x2  }
0xba: {  	s3 =	sand.u32 $0x4000, s31;
	s1 =	sadd.s32 s1, s30  }
0xbb: {  	s0 =	sor.u32 s3, s0;
	s1 =	sshll.u32 s1, $0x11  }
0xbc: {  	s0 =	sor.u32 s1, s0  }
0xbd: {  	s0 =	sadd.s32 $0x8F2B, s0  }
0xbe: {  	[sflag:s0] =	ssyncadd.remote.s32 $0x1  }
0xbf: {  	_ =	sfence.sel $0xFFFF  }
0xc0: {  	[dreg:$0x0] =	wrdreg $0xFFFFFFFF;
	(pc) =	sbr.abs _section_cstart, $3  }
0xc1: {  	[dreg:$0x1] =	wrdreg $0xFFFFFFFF  }
0xc2: {  	_ =	task.clear_ibuf [dreg:s7], $0x2FFFF;
	_ =	strace $0x9FFFFFFF  }
0xc3: {  	(tm) =	ssettm $0x7FFFFFFF  }
tec
execute0_lowered:
.L_overlay_start_1:
0x0: {  	(tag) =	ssettag $0x1  }
0x1: {  	s1 =	rddreg [dreg:$0x0]  }
0x2: {  	s0 =	srdreg.scid;
	s6 =	rddreg [dreg:$0x1]  }
0x3: {  	s12 =	stileid.u32;
	s3 =	rddreg [dreg:$0x2]  }
0x4: {  	s4 =	simm.s32 $0x0;
	s28 =	simm.s32 $0x2800;
	s29 =	simm.s32 $0x5100  }
0x5: {  	s30 =	simm.s32 $0x2;
	s31 =	simm.s32 $0x8;
	s7 =	smul.u32 $0x14000, s12  }
0x6: {  	s13 =	simm.s32 $0x7;
	s0 =	sand.u32 $0x1, s0;
	s10 =	smul.u32 $0x50000, s12  }
0x7: {  	s2 =	sshll.u32 s12, $0x1;
	[smem:$0x7FF] =	sst s4;
	s15 =	smul.u32 $0x4E20, s12  }
0x8: {  	s12 =	simm.s32 $0x6;
	s2 =	sor.u32 s0, s2;
	s5 =	smul.u32 $0x140000, s0  }
0x9: {  	_ =	strace $0x8000004A;
	s9 =	ssub.s32 $0x2, s0;
	s0 =	smul.u32 $0x2710, s0  }
0xa: {  	s2 =	smul.u32 $0x2710, s2;
	s11 =	sshrl.u32 s9, $0x1;
	s14 =	sshrl.u32 s10, $0x2  }
0xb: {  	s7 =	sadd.s32 s7, s5;
	s5 =	sadd.s32 $0x2000, s6;
	s9 =	ssub.s32 s9, s11  }
0xc: {  	s0 =	sadd.s32 s0, s15;
	s2 =	sshrl.u32 s2, $0x3;
	s7 =	sshrl.u32 s7, $0x3  }
0xd: {  	s23 =	sadd.s32 $0xA0, s0;
	s24 =	sadd.s32 $0x140, s0;
	s25 =	smax.u32 s9, $0x1  }
0xe: {  	s0 =	sadd.s32 $0xF0, s0;
	s8 =	sadd.s32 s2, s6;
	[dreg:$0xf] =	wrdreg s25  }
0xf: {  	s6 =	sadd.s32 s7, s6;
	s2 =	sadd.s32 s5, s2;
	[dreg:$0x12] =	wrdreg s0  }
0x10: {  	s7 =	sadd.s32 s14, s3;
	s8 =	sadd.s32 $0xBE00, s8;
	[dreg:$0xb] =	wrdreg s2  }
0x11: {  	s10 =	simm.s32 $0x4;
	s16 =	sadd.s32 $0x2800, s7;
	[dreg:$0x4] =	wrdreg s8  }
0x12: {  	s11 =	simm.s32 $0xA;
	s17 =	sadd.s32 $0x5000, s7;
	[dreg:$0x5] =	wrdreg s16  }
0x13: {  	s15 =	simm.s32 $0x0;
	s18 =	sadd.s32 $0x7800, s7;
	[dreg:$0x6] =	wrdreg s17  }
0x14: {  	s9 =	simm.s32 $0x5;
	s19 =	sadd.s32 $0xA000, s7;
	[dreg:$0x7] =	wrdreg s18  }
0x15: {  	s26 =	sshrl.u32 s24, $0x3;
	s20 =	sadd.s32 $0xC800, s7;
	[dreg:$0x8] =	wrdreg s19  }
0x16: {  	s24 =	simm.s32 $0x1;
	s21 =	sadd.s32 $0xF000, s7;
	[dreg:$0x9] =	wrdreg s20  }
0x17: {  	s25 =	simm.s32 $0x2780;
	s22 =	sadd.s32 $0x11800, s7;
	[dreg:$0xa] =	wrdreg s21  }
0x18: {  	s0 =	simm.s32 $0x7900;
	s2 =	sadd.s32 $0xA, s2;
	[dreg:$0xc] =	wrdreg s22  }
.Ltmp0:
0x19: {  	s6 =	sadd.s32 $0x15C00, s6;
	[dreg:$0xd] =	wrdreg s2;
	(pc) =	sbr.rel .LBB2_1-.Ltmp0, $4  }
0x1a: {  	[dreg:$0xe] =	wrdreg s6;
	s2 =	sshrl.u32 s23, $0x3;
	s22 =	simm.s32 $0x2900  }
0x1b: {  	s23 =	simm.s32 $0xB;
	s6 =	simm.s32 $0x3;
	s2 =	sadd.s32 s2, s5  }
0x1c: {  	s8 =	simm.s32 $0x9;
	[dreg:$0x10] =	wrdreg s2;
	s2 =	sadd.s32 s26, s5  }
0x1d: {  	v0 =	vimm.f32 $0.0e+00;
	s26 =	simm.s32 $0x50;
	[dreg:$0x11] =	wrdreg s2;
	s2 =	simm.s32 $0x2880  }
.LBB2_9:
0x1e: {  	_ =	swait.ge [sflag:s30], $0x2800  }
0x1f: {  	[sflag:s30] =	ssyncset.done $0x0  }
0x20: {  	[sflag:s30] =	ssyncadd.s32 $0xFFFFD800  }
0x21: {  	_ =	swait.ge [sflag:s31], $0x50  }
0x22: {  	[sflag:s31] =	ssyncset.done $0x0  }
0x23: {  	[sflag:s31] =	ssyncadd.s32 $0xFFFFFFB0  }
0x24: {  	[spmem:s3] =	stream.indirect.scatter.add.f32 [tilespmem:s22], [sflag:$0x5], $0x80, s25, s26, $0xb8;
	[tilespmem:$0x1E100] =	vst v63  }
0x25: {  	_ =	swait.ge [sflag:s6], $0x2800  }
0x26: {  	[sflag:s6] =	ssyncset.done $0x0  }
0x27: {  	[sflag:s6] =	ssyncadd.s32 $0xFFFFD800  }
0x28: {  	_ =	swait.ge [sflag:s8], $0x50  }
0x29: {  	[sflag:s8] =	ssyncset.done $0x0  }
0x2a: {  	[sflag:s8] =	ssyncadd.s32 $0xFFFFFFB0  }
0x2b: {  	[spmem:s3] =	stream.indirect.scatter.add.f32 [tilespmem:s29], [sflag:$0x6], $0x80, s28, s26, $0xb8;
	[tilespmem:$0x1E100] =	vst v63  }
0x2c: {  	_ =	swait.ge [sflag:s13], $0x2800  }
0x2d: {  	[sflag:s13] =	ssyncset.done $0x0  }
0x2e: {  	[sflag:s13] =	ssyncadd.s32 $0xFFFFD800  }
0x2f: {  	_ =	swait.ge [sflag:s9], $0x2800  }
0x30: {  	[sflag:s9] =	ssyncset.done $0x0  }
0x31: {  	[sflag:s9] =	ssyncadd.s32 $0xFFFFD800  }
0x32: {  	_ =	swait.ge [sflag:s12], $0x2800  }
0x33: {  	[sflag:s12] =	ssyncset.done $0x0  }
0x34: {  	s14 =	stileid.u32;
	[sflag:s12] =	ssyncadd.s32 $0xFFFFD800  }
0x35: {  	s14 =	sshll.u32 s14, $0x6;
	[bflag:$0x0] =	sbarrier.arrive $0xFFFF  }
0x36: {  	s16 =	sshrl.u32 s7, $0x3;
	s14 =	sor.u32 $0x1C0B, s14;
	s17 =	rddreg [dreg:$0xe]  }
0x37: {  	[hbm:s17], [sflag:s14] =	dma.local [spmem:s16], $0x2800  }
0x38: {  	_ =	swait.ge [sflag:s23], $0x2800  }
0x39: {  	s15 =	sadd.s32 $0x1, s15;
	s21 =	rddreg [dreg:$0xf]  }
0x3a: {  	p0 =	sne.s32 s15, s21  }
.Ltmp1:
0x3b: {  	_ = 	snop;
	(pc) =	sbr.rel @!p0 .LBB2_10-.Ltmp1, $3  }
0x3c: {  	_ =	sdelay $0x1  }
0x3d: {  	[sflag:s23] =	ssyncset.done $0x0  }
0x3e: {  	[sflag:s23] =	ssyncadd.s32 $0xFFFFD800  }
.LBB2_1:
0x3f: {  	s14 =	rddreg [dreg:$0x4];
	s16 =	sand.u32 $0xFE00, s4  }
0x40: {  	[tilespmem:s4], [sflag:$0x1] =	stream.linear.gather [hbm4b:s14+s4], $0x2710, $0x38;
	[tilespmem:$0x1E100] =	vst v63  }
0x41: {  	s18 =	sand.u32 $0x70, s4;
	s19 =	sshrl.u32 s16, $0x2  }
0x42: {  	s16 =	simm.s32 $0x40;
	s19 =	sor.u32 s18, s19;
	s18 =	simm.s32 $0x0  }
.LBB2_2:
0x43: {  	p0 =	sne.s32 s16, $0x9FC0  }
0x44: {  	[tilespmem:s19+$0x2900] =	vst v0;
	s18 =	sadd.s32 $0x10, s18;
	s19 =	smov.u32 s16;
	s16 =	sadd.s32 $0x40, s16  }
.Ltmp2:
0x45: {  	(pc) =	sbr.rel @p0 .LBB2_2-.Ltmp2, $4  }
0x46: {  	_ = 	snop  }
0x47: {  	s19 =	sand.u32 $0xFE00, s19  }
0x48: {  	s20 =	sand.u32 $0x70, s18;
	s19 =	sshrl.u32 s19, $0x2  }
0x49: {  	s19 =	sor.u32 s20, s19  }
0x4a: {  	[tilespmem:s19+$0x2900] =	vst v0  }
0x4b: {  	[spmem:s7] =	stream.linear.scatter [tilespmem:s22], [sflag:$0xB], $0x2800, $0x38;
	[tilespmem:$0x1E100] =	vst v63  }
0x4c: {  	_ =	swait.ge [sflag:s23], $0x2800  }
0x4d: {  	[sflag:s23] =	ssyncset.done $0x0  }
0x4e: {  	s14 =	rddreg [dreg:$0x5];
	[sflag:s23] =	ssyncadd.s32 $0xFFFFD800  }
0x4f: {  	[spmem:s14] =	stream.linear.scatter [tilespmem:s22], [sflag:$0xB], $0x2800, $0x38;
	[tilespmem:$0x1E100] =	vst v63  }
0x50: {  	_ =	swait.ge [sflag:s23], $0x2800  }
0x51: {  	[sflag:s23] =	ssyncset.done $0x0  }
0x52: {  	s20 =	rddreg [dreg:$0x6];
	[sflag:s23] =	ssyncadd.s32 $0xFFFFD800  }
0x53: {  	[spmem:s20] =	stream.linear.scatter [tilespmem:s22], [sflag:$0xB], $0x2800, $0x38;
	[tilespmem:$0x1E100] =	vst v63  }
0x54: {  	_ =	swait.ge [sflag:s23], $0x2800  }
0x55: {  	[sflag:s23] =	ssyncset.done $0x0  }
0x56: {  	s21 =	rddreg [dreg:$0x7];
	[sflag:s23] =	ssyncadd.s32 $0xFFFFD800  }
0x57: {  	[spmem:s21] =	stream.linear.scatter [tilespmem:s22], [sflag:$0xB], $0x2800, $0x38;
	[tilespmem:$0x1E100] =	vst v63  }
0x58: {  	_ =	swait.ge [sflag:s23], $0x2800  }
0x59: {  	[sflag:s23] =	ssyncset.done $0x0  }
0x5a: {  	s16 =	rddreg [dreg:$0x8];
	[sflag:s23] =	ssyncadd.s32 $0xFFFFD800  }
0x5b: {  	[spmem:s16] =	stream.linear.scatter [tilespmem:s22], [sflag:$0xB], $0x2800, $0x38;
	[tilespmem:$0x1E100] =	vst v63  }
0x5c: {  	_ =	swait.ge [sflag:s23], $0x2800  }
0x5d: {  	[sflag:s23] =	ssyncset.done $0x0  }
0x5e: {  	s17 =	rddreg [dreg:$0x9];
	[sflag:s23] =	ssyncadd.s32 $0xFFFFD800  }
0x5f: {  	[spmem:s17] =	stream.linear.scatter [tilespmem:s22], [sflag:$0xB], $0x2800, $0x38;
	[tilespmem:$0x1E100] =	vst v63  }
0x60: {  	_ =	swait.ge [sflag:s23], $0x2800  }
0x61: {  	[sflag:s23] =	ssyncset.done $0x0  }
0x62: {  	s18 =	rddreg [dreg:$0xa];
	[sflag:s23] =	ssyncadd.s32 $0xFFFFD800  }
0x63: {  	[spmem:s18] =	stream.linear.scatter [tilespmem:s22], [sflag:$0xB], $0x2800, $0x38;
	[tilespmem:$0x1E100] =	vst v63  }
0x64: {  	_ =	swait.ge [sflag:s23], $0x2800  }
0x65: {  	[sflag:s23] =	ssyncset.done $0x0  }
0x66: {  	s19 =	rddreg [dreg:$0xc];
	[sflag:s23] =	ssyncadd.s32 $0xFFFFD800  }
0x67: {  	[spmem:s19] =	stream.linear.scatter [tilespmem:s22], [sflag:$0xB], $0x2800, $0x38;
	[tilespmem:$0x1E100] =	vst v63  }
0x68: {  	_ =	swait.ge [sflag:s23], $0x2800  }
0x69: {  	[sflag:s23] =	ssyncset.done $0x0  }
0x6a: {  	[sflag:s23] =	ssyncadd.s32 $0xFFFFD800  }
0x6b: {  	_ =	swait.ge [sflag:s24], $0x2710  }
0x6c: {  	[sflag:s24] =	ssyncset.done $0x0  }
0x6d: {  	[sflag:s24] =	ssyncadd.s32 $0xFFFFD8F0  }
0x6e: {  	[bflag:$0x0] =	sbarrier.arrive $0xFFFF  }
0x6f: {  	s16 =	simm.s32 $0x0;
	s20 =	rddreg [dreg:$0xb]  }
0x70: {  	[tilespmem:s25], [sflag:$0x8] =	stream.linear.gather [hbm4b:s20+s16], $0x50, $0x38;
	[tilespmem:$0x1E100] =	vst v63  }
0x71: {  	s21 =	rddreg [dreg:$0xd]  }
0x72: {  	[tilespmem:s22], [sflag:$0x2] =	stream.indirect.gather [hbm4b:s1+s26], $0x80, s16, s26, $0xb8;
	[tilespmem:$0x1E100] =	vst v63  }
.Ltmp3:
0x73: {  	s19 =	rddreg [dreg:$0x10];
	(pc) =	sbr.rel .LBB2_4-.Ltmp3, $4  }
0x74: {  	s20 =	rddreg [dreg:$0x11]  }
0x75: {  	[tilespmem:s28], [sflag:$0x9] =	stream.linear.gather [hbm4b:s21+s16], $0x50, $0x38;
	[tilespmem:$0x1E100] =	vst v63  }
0x76: {  	s18 =	simm.s32 $0x0;
	s21 =	rddreg [dreg:$0x12]  }
0x77: {  	[tilespmem:s29], [sflag:$0x3] =	stream.indirect.gather [hbm4b:s1+s26], $0x80, s26, s26, $0xb8;
	[tilespmem:$0x1E100] =	vst v63  }
.LBB2_7:
0x78: {  	[tilespmem:s2], [sflag:$0xA] =	stream.linear.gather [hbm4b:s19+s4], $0x50, $0x38;
	[tilespmem:$0x1E100] =	vst v63  }
0x79: {  	s14 =	sshra.s32 s16, $0x2  }
0x7a: {  	s14 =	sadd.s32 $0xA0, s14  }
0x7b: {  	[tilespmem:s0], [sflag:$0x4] =	stream.indirect.gather [hbm4b:s1+s26], $0x80, s14, s26, $0xb8;
	[tilespmem:$0x1E100] =	vst v63  }
.LBB2_8:
0x7c: {  	_ =	swait.ge [sflag:s6], $0x2800  }
0x7d: {  	[sflag:s6] =	ssyncset.done $0x0  }
0x7e: {  	[sflag:s6] =	ssyncadd.s32 $0xFFFFD800  }
0x7f: {  	_ =	swait.ge [sflag:s8], $0x50  }
0x80: {  	[sflag:s8] =	ssyncset.done $0x0  }
0x81: {  	[sflag:s8] =	ssyncadd.s32 $0xFFFFFFB0  }
0x82: {  	[spmem:s3] =	stream.indirect.scatter.add.f32 [tilespmem:s29], [sflag:$0x6], $0x80, s28, s26, $0xb8;
	[tilespmem:$0x1E100] =	vst v63  }
0x83: {  	_ =	swait.ge [sflag:s9], $0x2800  }
0x84: {  	s14 =	sshrl.u32 s21, $0x3;
	[sflag:s9] =	ssyncset.done $0x0  }
0x85: {  	s14 =	sadd.s32 s5, s14;
	[sflag:s9] =	ssyncadd.s32 $0xFFFFD800  }
0x86: {  	[tilespmem:s25], [sflag:$0x8] =	stream.linear.gather [hbm4b:s14+s4], $0x50, $0x38;
	[tilespmem:$0x1E100] =	vst v63  }
0x87: {  	s14 =	sshra.s32 s16, $0x2  }
0x88: {  	s17 =	sadd.s32 $0xF0, s14  }
0x89: {  	[tilespmem:s22], [sflag:$0x2] =	stream.indirect.gather [hbm4b:s1+s26], $0x80, s17, s26, $0xb8;
	[tilespmem:$0x1E100] =	vst v63  }
0x8a: {  	_ =	swait.ge [sflag:s10], $0x2800  }
0x8b: {  	[sflag:s10] =	ssyncset.done $0x0  }
0x8c: {  	[sflag:s10] =	ssyncadd.s32 $0xFFFFD800  }
0x8d: {  	_ =	swait.ge [sflag:s11], $0x50  }
0x8e: {  	[sflag:s11] =	ssyncset.done $0x0  }
0x8f: {  	s16 =	sadd.s32 $0x3C0, s16;
	[sflag:s11] =	ssyncadd.s32 $0xFFFFFFB0  }
0x90: {  	[spmem:s3] =	stream.indirect.scatter.add.f32 [tilespmem:s0], [sflag:$0x7], $0x80, s2, s26, $0xb8;
	[tilespmem:$0x1E100] =	vst v63  }
0x91: {  	p0 =	sne.s32 s16, $0x99C0;
	_ =	swait.ge [sflag:s12], $0x2800  }
.Ltmp4:
0x92: {  	[sflag:s12] =	ssyncset.done $0x0;
	(pc) =	sbr.rel @!p0 .LBB2_9-.Ltmp4, $4  }
0x93: {  	s18 =	sadd.s32 $0x1, s18;
	s19 =	sadd.s32 $0x1E, s19;
	[sflag:s12] =	ssyncadd.s32 $0xFFFFD800  }
0x94: {  	[tilespmem:s28], [sflag:$0x9] =	stream.linear.gather [hbm4b:s20+s4], $0x50, $0x38;
	[tilespmem:$0x1E100] =	vst v63  }
0x95: {  	s21 =	sadd.s32 $0xF0, s21;
	s14 =	sadd.s32 $0x140, s14;
	s20 =	sadd.s32 $0x1E, s20  }
0x96: {  	[tilespmem:s29], [sflag:$0x3] =	stream.indirect.gather [hbm4b:s1+s26], $0x80, s14, s26, $0xb8;
	[tilespmem:$0x1E100] =	vst v63  }
.LBB2_4:
0x97: {  	_ =	swait.ge [sflag:s30], $0x2800  }
0x98: {  	p0 =	seq.s32 s18, $0x0;
	[sflag:s30] =	ssyncset.done $0x0  }
.Ltmp5:
0x99: {  	[sflag:s30] =	ssyncadd.s32 $0xFFFFD800;
	(pc) =	sbr.rel @p0 .LBB2_7-.Ltmp5, $4  }
0x9a: {  	_ =	swait.ge [sflag:s31], $0x50  }
0x9b: {  	[sflag:s31] =	ssyncset.done $0x0  }
0x9c: {  	[sflag:s31] =	ssyncadd.s32 $0xFFFFFFB0  }
0x9d: {  	[spmem:s3] =	stream.indirect.scatter.add.f32 [tilespmem:s22], [sflag:$0x5], $0x80, s25, s26, $0xb8;
	[tilespmem:$0x1E100] =	vst v63  }
0x9e: {  	p0 =	seq.s32 s18, $0x29  }
.Ltmp6:
0x9f: {  	_ = 	snop;
	(pc) =	sbr.rel @p0 .LBB2_8-.Ltmp6, $1  }
0xa0: {  	_ =	sdelay $0x3  }
.Ltmp7:
0xa1: {  	(pc) =	sbr.rel .LBB2_7-.Ltmp7, $4  }
0xa2: {  	_ = 	snop  }
0xa3: {  	_ =	swait.ge [sflag:s13], $0x2800  }
0xa4: {  	[sflag:s13] =	ssyncset.done $0x0  }
0xa5: {  	[sflag:s13] =	ssyncadd.s32 $0xFFFFD800  }
.LBB2_10:
0xa6: {  	_ =	sfence.sel $0x180000  }
0xa7: {  	[bflag:$0x0] =	sbarrier.arrive $0xFFFF  }
0xa8: {  	_ =	strace $0x9000004A  }
0xa9: {  	s0 =	stileid.u32;
	[bflag:$0x2] =	sbarrier.arrive $0xFFFF  }
0xaa: {  	p0 =	sne.s32 s0, $0x0;
	s0 =	rddreg [dreg:$0x3]  }
0xab: {  	s0 =	sadd.s32 @!p0 $0x100000, s0  }
0xac: {  	[sflag:s0] =	ssyncadd.tile.s32 @!p0 $0x1;
	_ =	shalt  }
.Lfunc_end2:
_tile_overlayer_lowered:
.L_overlay_start_2:
0xad: {  	(tag) =	ssettag $0x2  }
0xae: {  	s0 =	rddreg [dreg:$0x0];
	s2 =	stileid.u32  }
0xaf: {  	s1 =	rddreg [dreg:$0x1];
	p0 =	sne.s32 s2, $0x0  }
0xb0: {  	s3 =	rddreg [dreg:$0x2];
	[bflag:$0x3] =	sbarrier.arrive $0xFFFF;
	s2 =	simm.s32 @!p0 $0x1C0B  }
0xb1: {  	[timem:s3], [sflag:s2] =	dma.local @!p0 [hbm:s0], s1  }
0xb2: {  	s0 =	simm.s32 @!p0 $0xB  }
0xb3: {  	_ =	swait.ge @!p0 [sflag:s0], s1  }
0xb4: {  	s1 =	ssub.s32 @!p0 $0x0, s1;
	[sflag:s0] =	ssyncset.done @!p0 $0x0  }
0xb5: {  	[sflag:s0] =	ssyncadd.s32 @!p0 s1  }
0xb6: {  	[bflag:$0x3] =	sbarrier.arrive $0xFFFF  }
0xb7: {  	_ =	shalt  }

// kernel: sc_sage_aggregate_cnt.3.cloned.1.call-start
scs
__scs_entry_jumppad:
0x0: {  	(pc) =	sbr.rel $0x88, $3  }
0x1: {  	(tag) =	ssettag $0x0;
	lr =	simm.s32 $0x1  }
0x2: {  	[smem:$0x3F99] =	sst lr;
	_ =	strace $0xD0000000  }
0x3: {  	_ = 	snop  }
0x4: {  	_ = 	snop  }
0x5: {  	_ = 	snop  }
0x6: {  	_ = 	snop  }
0x7: {  	_ = 	snop  }
__scs_overlays_trampoline_lowered:
0x8: {  	[smem:$0x3FA8] =	sst s0  }
0x9: {  	[smem:$0x3FA9] =	sst s1  }
0xa: {  	[smem:$0x3FAA] =	sst s2  }
0xb: {  	[smem:$0x3FAB] =	sst s3  }
0xc: {  	[smem:$0x3FAC] =	sst s4  }
0xd: {  	[smem:$0x3FAD] =	sst s5  }
0xe: {  	[smem:$0x3FAE] =	sst s6  }
0xf: {  	[smem:$0x3FAF] =	sst s7  }
0x10: {  	[smem:$0x3FB0] =	sst s8  }
0x11: {  	[smem:$0x3FB1] =	sst s9;
	s0 =	simm.s32 @!p0 $0x0  }
0x12: {  	s1 =	sld [smem:$0x3F97];
	s0 =	simm.s32 @p0 $0x1  }
0x13: {  	[smem:$0x3FB2] =	sst s0;
	s0 =	simm.s32 @!p1 $0x0  }
0x14: {  	s2 =	sld [smem:$0x3F96];
	s0 =	simm.s32 @p1 $0x1  }
0x15: {  	[smem:$0x3FB3] =	sst s0;
	s0 =	simm.s32 @!p2 $0x0  }
0x16: {  	s3 =	sld [smem:$0x3FDB];
	s0 =	simm.s32 @p2 $0x1  }
0x17: {  	s4 =	simm.s32 $0x1BF5;
	[smem:$0x3FB5] =	sst s0  }
0x18: {  	s0 =	sld [smem:$0x3F98];
	_ =	swait.ge [sflag:s4], $0x0  }
0x19: {  	s7 =	sld [smem:$0x3F99]  }
0x1a: {  	s8 =	sadd.s32 $0xFFFFE003, lr  }
0x1b: {  	s9 =	sadd.s32 $0xFFFFFEF7, lr;
	s5 =	simm.s32 $0xFFFFFFFF;
	p2 =	slt.u32 s8, $0xFFFFF086  }
0x1c: {  	p1 =	slt.u32 s9, $0xF7A;
	s5 =	simm.s32 @!p2 $0x0  }
0x1d: {  	s5 =	simm.s32 @p1 $0x1;
	p0 =	seq.s32 s7, s2  }
0x1e: {  	s7 =	smul.u32 @!p0 $0xF7A, s2;
	p2 =	seq.s32 @!p0 s5, $0x0  }
0x1f: {  	s9 =	smul.u32 $0xF7A, s1;
	s8 =	simm.s32 @!p0 $0x1BF5;
	p2 =	por !p2, p0  }
0x20: {  	[sflag:s8] =	ssyncset.s32 @!p0 $0xFFFFF086;
	s6 =	sadd.s32 @!p0 s3, s7;
	s7 =	simm.s32 @!p0 $0x108  }
0x21: {  	s3 =	sadd.s32 s3, s9;
	s6 =	sadd.s32 @!p0 $0x88, s6;
	s7 =	simm.s32 @p2 $0x1082  }
0x22: {  	[simem:s7], [sflag:s8] =	dma.local @!p0 [hbm:s6], $0xF7A  }
0x23: {  	s9 =	sor.u32 $0xD0000000, s2;
	s6 =	simm.s32 $0x108;
	_ =	swait.ge @!p0 [sflag:s8], $0x0  }
0x24: {  	s3 =	sadd.s32 $0x88, s3;
	s6 =	simm.s32 @!p1 $0x1082;
	[sflag:s4] =	ssyncset.s32 $0xFFFFF086  }
0x25: {  	[simem:s6], [sflag:s4] =	dma.local [hbm:s3], $0xF7A  }
0x26: {  	[smem:$0x3F99] =	sst s1;
	(tag) =	ssettag s2;
	_ =	strace s9  }
0x27: {  	s1 =	sld [smem:$0x3FA9]  }
0x28: {  	s2 =	sld [smem:$0x3FAA]  }
0x29: {  	s4 =	sld [smem:$0x3FAC]  }
0x2a: {  	p0 =	seq.s32 s5, $0x0;
	s5 =	sld [smem:$0x3FAD]  }
0x2b: {  	s6 =	sld [smem:$0x3FAE]  }
0x2c: {  	s7 =	sld [smem:$0x3FAF]  }
0x2d: {  	s3 =	simm.s32 $0x108;
	s8 =	sld [smem:$0x3FB0]  }
0x2e: {  	s3 =	simm.s32 @!p0 $0x1082;
	s9 =	sld [smem:$0x3FB1]  }
0x2f: {  	lr =	sadd.s32 s0, s3;
	s0 =	sld [smem:$0x3FA8]  }
0x30: {  	s3 =	sld [smem:$0x3FAB]  }
0x31: {  	[smem:$0x3FB4] =	sst s10  }
0x32: {  	s10 =	sld [smem:$0x3FB2];
	_ =	sdelay $0x3  }
0x33: {  	p0 =	seq.s32 s10, $0x1;
	s10 =	sld [smem:$0x3FB4];
	_ =	sdelay $0x3  }
0x34: {  	[smem:$0x3FB4] =	sst s10  }
0x35: {  	s10 =	sld [smem:$0x3FB3];
	_ =	sdelay $0x3  }
0x36: {  	p1 =	seq.s32 s10, $0x1;
	s10 =	sld [smem:$0x3FB4];
	_ =	sdelay $0x3  }
0x37: {  	[smem:$0x3FB4] =	sst s10  }
0x38: {  	s10 =	sld [smem:$0x3FB5]  }
0x39: {  	_ = 	snop;
	(pc) =	sbr.ind lr, $3  }
0x3a: {  	_ = 	snop  }
0x3b: {  	_ = 	snop  }
0x3c: {  	p2 =	seq.s32 s10, $0x1;
	s10 =	sld [smem:$0x3FB4]  }
0x3d: {  	_ =	shalt  }
0x3e: {  	_ =	shalt  }
0x3f: {  	_ =	shalt  }
0x40: {  	_ =	shalt  }
0x41: {  	_ =	shalt  }
0x42: {  	_ =	shalt  }
0x43: {  	_ =	shalt  }
0x44: {  	_ =	shalt  }
0x45: {  	_ =	shalt  }
0x46: {  	_ =	shalt  }
0x47: {  	_ =	shalt  }
0x48: {  	_ =	shalt  }
0x49: {  	_ =	shalt  }
0x4a: {  	_ =	shalt  }
0x4b: {  	_ =	shalt  }
0x4c: {  	_ =	shalt  }
0x4d: {  	_ =	shalt  }
0x4e: {  	_ =	shalt  }
0x4f: {  	_ =	shalt  }
0x50: {  	_ =	shalt  }
0x51: {  	_ =	shalt  }
0x52: {  	_ =	shalt  }
0x53: {  	_ =	shalt  }
0x54: {  	_ =	shalt  }
0x55: {  	_ =	shalt  }
0x56: {  	_ =	shalt  }
0x57: {  	_ =	shalt  }
0x58: {  	_ =	shalt  }
0x59: {  	_ =	shalt  }
0x5a: {  	_ =	shalt  }
0x5b: {  	_ =	shalt  }
0x5c: {  	_ =	shalt  }
0x5d: {  	_ =	shalt  }
0x5e: {  	_ =	shalt  }
0x5f: {  	_ =	shalt  }
0x60: {  	_ =	shalt  }
0x61: {  	_ =	shalt  }
0x62: {  	_ =	shalt  }
0x63: {  	_ =	shalt  }
0x64: {  	_ =	shalt  }
0x65: {  	_ =	shalt  }
0x66: {  	_ =	shalt  }
0x67: {  	_ =	shalt  }
0x68: {  	_ =	shalt  }
0x69: {  	_ =	shalt  }
0x6a: {  	_ =	shalt  }
0x6b: {  	_ =	shalt  }
0x6c: {  	_ =	shalt  }
0x6d: {  	_ =	shalt  }
0x6e: {  	_ =	shalt  }
0x6f: {  	_ =	shalt  }
0x70: {  	_ =	shalt  }
0x71: {  	_ =	shalt  }
0x72: {  	_ =	shalt  }
0x73: {  	_ =	shalt  }
0x74: {  	_ =	shalt  }
0x75: {  	_ =	shalt  }
0x76: {  	_ =	shalt  }
0x77: {  	_ =	shalt  }
0x78: {  	_ =	shalt  }
0x79: {  	_ =	shalt  }
0x7a: {  	_ =	shalt  }
0x7b: {  	_ =	shalt  }
0x7c: {  	_ =	shalt  }
0x7d: {  	_ =	shalt  }
0x7e: {  	_ =	shalt  }
0x7f: {  	_ =	shalt  }
0x80: {  	_ =	shalt  }
0x81: {  	_ =	shalt  }
0x82: {  	_ =	shalt  }
0x83: {  	_ =	shalt  }
0x84: {  	_ =	shalt  }
0x85: {  	_ =	shalt  }
0x86: {  	_ =	shalt  }
0x87: {  	_ =	shalt  }
.Lfunc_end0:
.L_simem_size_0:
called_computation_lowered:
.L_overlay_start_0:
0x88: {  	s2 =	sld [smem:$0x3FD9]  }
0x89: {  	s3 =	sld [smem:$0x3FFE];
	_ =	sdelay $0x1  }
0x8a: {  	s1 =	srdreg.scid  }
0x8b: {  	s0 =	sand.u32 $0x1, s1  }
0x8c: {  	s17 =	sshll.u32 s0, $0xA;
	s2 =	sadd.s32 s3, s2  }
0x8d: {  	s2 =	sadd.s32 s2, s17  }
0x8e: {  	[smem:$0x3FC0] =	sst s2  }
0x8f: {  	_ = 	snop  }
0x90: {  	s2 =	sld [smem:$0x3FC9];
	(tm) =	ssettm $0x1  }
0x91: {  	s18 =	sld [smem:$0x3FFB];
	_ =	sdelay $0x3  }
0x92: {  	_ =	strace s18  }
0x93: {  	s3 =	sld [smem:$0x3FFC];
	_ =	sdelay $0x3  }
0x94: {  	_ =	strace s3  }
0x95: {  	s3 =	sld [smem:$0x3FFD];
	_ =	sdelay $0x3  }
0x96: {  	_ =	strace s3  }
0x97: {  	_ =	strace $0x8FFFFFFF  }
0x98: {  	s19 =	sld [smem:$0x3FDB];
	_ =	sdelay $0x1  }
0x99: {  	s4 =	simm.s32 $_scs_section_size  }
0x9a: {  	s5 =	simm.s32 $_size__tile_overlayer_lowered;
	s6 =	simm.s32 $_tile_overlayer_lowered  }
0x9b: {  	s22 =	simm.s32 $0x1BFF;
	s21 =	sshll.u32 s6, $0x1;
	s3 =	sadd.s32 s4, s19  }
0x9c: {  	s7 =	simm.s32 $0x0;
	s20 =	sshll.u32 s5, $0x1;
	s5 =	sadd.s32 s21, s3  }
0x9d: {  	[timem:s7], [sflag:s22] =	dma.local [hbm:s5], s20  }
0x9e: {  	_ =	swait.ge [sflag:s22], s20  }
0x9f: {  	s4 =	ssub.s32 $0x0, s20;
	[sflag:s22] =	ssyncset.done $0x0  }
0xa0: {  	[sflag:s22] =	ssyncadd.s32 s4;
	_ =	sdelay $0x1  }
0xa1: {  	s23 =	simm.s32 $0x1B8B  }
0xa2: {  	_ =	swait.ge [sflag:s23], $0x1  }
0xa3: {  	[sflag:s23] =	ssyncset.done $0x0  }
0xa4: {  	s25 =	simm.s32 $0x1B8E;
	s24 =	sld [smem:$0x3FFE];
	[sflag:s23] =	ssyncadd.s32 $0xFFFFFFFF  }
0xa5: {  	s26 =	simm.s32 $execute0_lowered;
	[smem:$0x3FD2] =	sst s25  }
0xa6: {  	s5 =	sshll.u32 s26, $0x1;
	_ =	strace $0x80000046;
	[dreg:$0x1] =	wrdreg $0xFFFFFFFF  }
0xa7: {  	s28 =	simm.s32 $_size_execute0_lowered;
	s3 =	sadd.s32 s3, s5;
	[dreg:$0x0] =	wrdreg $0x0  }
0xa8: {  	s5 =	sshll.u32 s28, $0x1;
	[dreg:$0x2] =	wrdreg s3  }
0xa9: {  	[dreg:$0x3] =	wrdreg s5  }
0xaa: {  	[dreg:$0x4] =	wrdreg $0xC0  }
0xab: {  	_ =	task [dreg:s7], $0x5FFFF  }
0xac: {  	[dreg:$0x1] =	wrdreg $0xFFFFFFFF  }
0xad: {  	[dreg:$0x0] =	wrdreg $0x60  }
0xae: {  	[dreg:$0x2] =	wrdreg s2  }
0xaf: {  	[dreg:$0x3] =	wrdreg s24  }
0xb0: {  	[dreg:$0x4] =	wrdreg $0xA1000  }
0xb1: {  	[dreg:$0x5] =	wrdreg $0x9  }
0xb2: {  	_ =	task.clear_ibuf [dreg:s7], $0x6FFFF;
	_ =	strace $0x90000046  }
0xb3: {  	s29 =	simm.s32 $0x9;
	_ =	strace $0x80000048  }
0xb4: {  	_ =	swait.ge [sflag:s29], $0x1  }
0xb5: {  	[sflag:s29] =	ssyncadd.s32 $0xFFFFFFFF  }
0xb6: {  	_ =	strace $0x90000048  }
0xb7: {  	_ =	sfence  }
0xb8: {  	s30 =	sld [smem:$0x0];
	_ =	sdelay $0x2  }
0xb9: {  	s31 =	sshll.u32 s1, $0xD;
	s1 =	sshrl.u32 s1, $0x2  }
0xba: {  	s3 =	sand.u32 $0x4000, s31;
	s1 =	sadd.s32 s1, s30  }
0xbb: {  	s0 =	sor.u32 s3, s0;
	s1 =	sshll.u32 s1, $0x11  }
0xbc: {  	s0 =	sor.u32 s1, s0  }
0xbd: {  	s0 =	sadd.s32 $0x8F2B, s0  }
0xbe: {  	[sflag:s0] =	ssyncadd.remote.s32 $0x1  }
0xbf: {  	_ =	sfence.sel $0xFFFF  }
0xc0: {  	[dreg:$0x0] =	wrdreg $0xFFFFFFFF;
	(pc) =	sbr.abs _section_cstart, $3  }
0xc1: {  	[dreg:$0x1] =	wrdreg $0xFFFFFFFF  }
0xc2: {  	_ =	task.clear_ibuf [dreg:s7], $0x2FFFF;
	_ =	strace $0x9FFFFFFF  }
0xc3: {  	(tm) =	ssettm $0x7FFFFFFF  }
tec
execute0_lowered:
.L_overlay_start_1:
0x0: {  	(tag) =	ssettag $0x1  }
0x1: {  	s0 =	srdreg.scid;
	s1 =	rddreg [dreg:$0x0]  }
0x2: {  	s12 =	stileid.u32;
	s6 =	rddreg [dreg:$0x1]  }
0x3: {  	s3 =	rddreg [dreg:$0x2];
	s4 =	simm.s32 $0x0;
	s28 =	simm.s32 $0x2800  }
0x4: {  	s29 =	simm.s32 $0x8;
	s30 =	simm.s32 $0x50;
	s8 =	smul.u32 $0x14000, s12  }
0x5: {  	s31 =	simm.s32 $0x2880;
	s0 =	sand.u32 $0x1, s0;
	s10 =	smul.u32 $0x50000, s12  }
0x6: {  	s2 =	sshll.u32 s12, $0x1;
	[smem:$0x7FF] =	sst s4;
	s12 =	smul.u32 $0x4E20, s12  }
0x7: {  	s5 =	sadd.s32 $0x2000, s6;
	s2 =	sor.u32 s0, s2;
	s7 =	smul.u32 $0x140000, s0  }
0x8: {  	_ =	strace $0x80000047;
	s26 =	ssub.s32 $0x2, s0;
	s0 =	smul.u32 $0x2710, s0  }
0x9: {  	s2 =	smul.u32 $0x2710, s2;
	s11 =	sshrl.u32 s26, $0x1;
	s10 =	sshrl.u32 s10, $0x2  }
0xa: {  	s7 =	sadd.s32 s8, s7;
	s8 =	ssub.s32 s26, s11;
	s16 =	sadd.s32 s10, s3  }
0xb: {  	s0 =	sadd.s32 s0, s12;
	s10 =	simm.s32 $0x4;
	s2 =	sshrl.u32 s2, $0x3  }
0xc: {  	s7 =	sshrl.u32 s7, $0x3;
	s13 =	sadd.s32 $0x5000, s16;
	[dreg:$0x4] =	wrdreg s16  }
0xd: {  	s22 =	sadd.s32 $0x2800, s16;
	s14 =	sadd.s32 $0x7800, s16;
	[dreg:$0x7] =	wrdreg s13  }
0xe: {  	s15 =	sadd.s32 $0xA000, s16;
	s17 =	sadd.s32 $0xC800, s16;
	[dreg:$0x8] =	wrdreg s14  }
0xf: {  	s18 =	sadd.s32 $0xF000, s16;
	s19 =	sadd.s32 $0x11800, s16;
	[dreg:$0x9] =	wrdreg s15  }
0x10: {  	s21 =	sadd.s32 $0xA0, s0;
	s24 =	sadd.s32 $0x140, s0;
	[dreg:$0xa] =	wrdreg s17  }
0x11: {  	s25 =	smax.u32 s8, $0x1;
	s0 =	sadd.s32 $0xF0, s0;
	[dreg:$0xb] =	wrdreg s18  }
0x12: {  	s8 =	simm.s32 $0x7900;
	s9 =	sadd.s32 s2, s6;
	[dreg:$0xc] =	wrdreg s19  }
0x13: {  	s7 =	sadd.s32 s7, s6;
	s2 =	sadd.s32 s5, s2;
	[dreg:$0x11] =	wrdreg s25  }
0x14: {  	s26 =	sshrl.u32 s24, $0x3;
	[dreg:$0x14] =	wrdreg s0;
	s24 =	simm.s32 $0xB  }
0x15: {  	s0 =	simm.s32 $0x5;
	s17 =	simm.s32 $0x6;
	s18 =	simm.s32 $0x7  }
0x16: {  	s19 =	simm.s32 $0x5100;
	s25 =	simm.s32 $0x2;
	[dreg:$0x6] =	wrdreg s22  }
0x17: {  	s11 =	sadd.s32 $0xBE00, s9;
	[dreg:$0xd] =	wrdreg s2;
	s2 =	sadd.s32 $0xA, s2  }
0x18: {  	s20 =	sadd.s32 $0x65C00, s7;
	s23 =	sadd.s32 $0x15C00, s7;
	[dreg:$0x5] =	wrdreg s11  }
.Ltmp0:
0x19: {  	s7 =	simm.s32 $0xA;
	[dreg:$0xe] =	wrdreg s2;
	(pc) =	sbr.rel .LBB2_1-.Ltmp0, $4  }
0x1a: {  	s9 =	simm.s32 $0x3;
	[dreg:$0xf] =	wrdreg s20;
	s2 =	sshrl.u32 s21, $0x3  }
0x1b: {  	[dreg:$0x10] =	wrdreg s23;
	s23 =	simm.s32 $0x2900;
	s2 =	sadd.s32 s2, s5  }
0x1c: {  	s11 =	simm.s32 $0x0;
	[dreg:$0x12] =	wrdreg s2;
	s2 =	sadd.s32 s26, s5  }
0x1d: {  	v0 =	vimm.f32 $0.0e+00;
	v1 =	vimm.f32 $1.000000000e+00;
	s26 =	simm.s32 $0x2780;
	[dreg:$0x13] =	wrdreg s2;
	s2 =	simm.s32 $0x9  }
.LBB2_19:
0x1e: {  	_ =	swait.ge [sflag:s25], $0x2800  }
0x1f: {  	[sflag:s25] =	ssyncset.done $0x0  }
0x20: {  	[sflag:s25] =	ssyncadd.s32 $0xFFFFD800  }
0x21: {  	_ =	swait.ge [sflag:s29], $0x50  }
0x22: {  	[sflag:s29] =	ssyncset.done $0x0  }
0x23: {  	[sflag:s29] =	ssyncadd.s32 $0xFFFFFFB0  }
0x24: {  	[spmem:s3] =	stream.indirect.scatter.add.f32 [tilespmem:s23], [sflag:$0x5], $0x80, s26, s30, $0xb8;
	[tilespmem:$0x1E100] =	vst v63  }
0x25: {  	_ =	swait.ge [sflag:s9], $0x2800  }
0x26: {  	[sflag:s9] =	ssyncset.done $0x0  }
0x27: {  	[sflag:s9] =	ssyncadd.s32 $0xFFFFD800  }
0x28: {  	_ =	swait.ge [sflag:s2], $0x50  }
0x29: {  	[sflag:s2] =	ssyncset.done $0x0  }
0x2a: {  	[sflag:s2] =	ssyncadd.s32 $0xFFFFFFB0  }
0x2b: {  	[spmem:s3] =	stream.indirect.scatter.add.f32 [tilespmem:s19], [sflag:$0x6], $0x80, s28, s30, $0xb8;
	[tilespmem:$0x1E100] =	vst v63  }
0x2c: {  	_ =	swait.ge [sflag:s18], $0x2800  }
0x2d: {  	[sflag:s18] =	ssyncset.done $0x0  }
0x2e: {  	[sflag:s18] =	ssyncadd.s32 $0xFFFFD800  }
0x2f: {  	_ =	swait.ge [sflag:s0], $0x2800  }
0x30: {  	[sflag:s0] =	ssyncset.done $0x0  }
0x31: {  	[sflag:s0] =	ssyncadd.s32 $0xFFFFD800  }
0x32: {  	_ =	swait.ge [sflag:s17], $0x2800  }
0x33: {  	[sflag:s17] =	ssyncset.done $0x0  }
0x34: {  	[sflag:s17] =	ssyncadd.s32 $0xFFFFD800  }
0x35: {  	[bflag:$0x0] =	sbarrier.arrive $0xFFFF  }
0x36: {  	s6 =	rddreg [dreg:$0x10]  }
0x37: {  	[hbm:s6], [sflag:s12] =	dma.local [spmem:s13], $0x2800  }
0x38: {  	_ =	swait.ge [sflag:s24], $0x2800  }
0x39: {  	s11 =	sadd.s32 $0x1, s11;
	s22 =	rddreg [dreg:$0x11]  }
0x3a: {  	p0 =	sne.s32 s11, s22  }
.Ltmp1:
0x3b: {  	_ = 	snop;
	(pc) =	sbr.rel @!p0 .LBB2_20-.Ltmp1, $3  }
0x3c: {  	_ =	sdelay $0x1  }
0x3d: {  	[sflag:s24] =	ssyncset.done $0x0;
	s16 =	rddreg [dreg:$0x4]  }
0x3e: {  	[sflag:s24] =	ssyncadd.s32 $0xFFFFD800;
	s22 =	rddreg [dreg:$0x6]  }
.LBB2_1:
0x3f: {  	s6 =	rddreg [dreg:$0x5];
	s12 =	sand.u32 $0xFE00, s4  }
0x40: {  	[tilespmem:s4], [sflag:$0x1] =	stream.linear.gather [hbm4b:s6+s4], $0x2710, $0x38;
	[tilespmem:$0x1E100] =	vst v63  }
0x41: {  	s13 =	sand.u32 $0x70, s4;
	s14 =	sshrl.u32 s12, $0x2  }
0x42: {  	s12 =	simm.s32 $0x40;
	s14 =	sor.u32 s13, s14;
	s13 =	simm.s32 $0x0  }
.LBB2_2:
0x43: {  	p0 =	sne.s32 s12, $0x9FC0  }
0x44: {  	[tilespmem:s14+$0x2900] =	vst v0;
	s13 =	sadd.s32 $0x10, s13;
	s14 =	smov.u32 s12;
	s12 =	sadd.s32 $0x40, s12  }
.Ltmp2:
0x45: {  	(pc) =	sbr.rel @p0 .LBB2_2-.Ltmp2, $4  }
0x46: {  	_ = 	snop  }
0x47: {  	s14 =	sand.u32 $0xFE00, s14  }
0x48: {  	s15 =	sand.u32 $0x70, s13;
	s14 =	sshrl.u32 s14, $0x2  }
0x49: {  	s14 =	sor.u32 s15, s14  }
0x4a: {  	[tilespmem:s14+$0x2900] =	vst v0  }
0x4b: {  	[spmem:s16] =	stream.linear.scatter [tilespmem:s23], [sflag:$0xB], $0x2800, $0x38;
	[tilespmem:$0x1E100] =	vst v63  }
0x4c: {  	_ =	swait.ge [sflag:s24], $0x2800  }
0x4d: {  	[sflag:s24] =	ssyncset.done $0x0  }
0x4e: {  	[sflag:s24] =	ssyncadd.s32 $0xFFFFD800  }
0x4f: {  	[spmem:s22] =	stream.linear.scatter [tilespmem:s23], [sflag:$0xB], $0x2800, $0x38;
	[tilespmem:$0x1E100] =	vst v63  }
0x50: {  	_ =	swait.ge [sflag:s24], $0x2800  }
0x51: {  	[sflag:s24] =	ssyncset.done $0x0  }
0x52: {  	s6 =	rddreg [dreg:$0x7];
	[sflag:s24] =	ssyncadd.s32 $0xFFFFD800  }
0x53: {  	[spmem:s6] =	stream.linear.scatter [tilespmem:s23], [sflag:$0xB], $0x2800, $0x38;
	[tilespmem:$0x1E100] =	vst v63  }
0x54: {  	_ =	swait.ge [sflag:s24], $0x2800  }
0x55: {  	[sflag:s24] =	ssyncset.done $0x0  }
0x56: {  	s21 =	rddreg [dreg:$0x8];
	[sflag:s24] =	ssyncadd.s32 $0xFFFFD800  }
0x57: {  	[spmem:s21] =	stream.linear.scatter [tilespmem:s23], [sflag:$0xB], $0x2800, $0x38;
	[tilespmem:$0x1E100] =	vst v63  }
0x58: {  	_ =	swait.ge [sflag:s24], $0x2800  }
0x59: {  	[sflag:s24] =	ssyncset.done $0x0  }
0x5a: {  	s12 =	rddreg [dreg:$0x9];
	[sflag:s24] =	ssyncadd.s32 $0xFFFFD800  }
0x5b: {  	[spmem:s12] =	stream.linear.scatter [tilespmem:s23], [sflag:$0xB], $0x2800, $0x38;
	[tilespmem:$0x1E100] =	vst v63  }
0x5c: {  	_ =	swait.ge [sflag:s24], $0x2800  }
0x5d: {  	[sflag:s24] =	ssyncset.done $0x0  }
0x5e: {  	s13 =	rddreg [dreg:$0xa];
	[sflag:s24] =	ssyncadd.s32 $0xFFFFD800  }
0x5f: {  	[spmem:s13] =	stream.linear.scatter [tilespmem:s23], [sflag:$0xB], $0x2800, $0x38;
	[tilespmem:$0x1E100] =	vst v63  }
0x60: {  	_ =	swait.ge [sflag:s24], $0x2800  }
0x61: {  	[sflag:s24] =	ssyncset.done $0x0  }
0x62: {  	s14 =	rddreg [dreg:$0xb];
	[sflag:s24] =	ssyncadd.s32 $0xFFFFD800  }
0x63: {  	[spmem:s14] =	stream.linear.scatter [tilespmem:s23], [sflag:$0xB], $0x2800, $0x38;
	[tilespmem:$0x1E100] =	vst v63  }
0x64: {  	_ =	swait.ge [sflag:s24], $0x2800  }
0x65: {  	[sflag:s24] =	ssyncset.done $0x0  }
0x66: {  	s15 =	rddreg [dreg:$0xc];
	[sflag:s24] =	ssyncadd.s32 $0xFFFFD800  }
0x67: {  	[spmem:s15] =	stream.linear.scatter [tilespmem:s23], [sflag:$0xB], $0x2800, $0x38;
	[tilespmem:$0x1E100] =	vst v63  }
0x68: {  	_ =	swait.ge [sflag:s24], $0x2800  }
0x69: {  	[sflag:s24] =	ssyncset.done $0x0  }
0x6a: {  	s20 =	simm.s32 $0x1;
	[sflag:s24] =	ssyncadd.s32 $0xFFFFD800  }
0x6b: {  	s12 =	simm.s32 $0x0;
	_ =	swait.ge [sflag:s20], $0x2710  }
0x6c: {  	s13 =	sand.u32 $0xFE00, s12;
	[sflag:s20] =	ssyncset.done $0x0  }
0x6d: {  	s21 =	sand.u32 $0x70, s12;
	s15 =	sshrl.u32 s13, $0x2;
	[sflag:s20] =	ssyncadd.s32 $0xFFFFD8F0  }
0x6e: {  	s13 =	simm.s32 $0x40;
	s14 =	sor.u32 s21, s15;
	[bflag:$0x0] =	sbarrier.arrive $0xFFFF  }
.LBB2_4:
0x6f: {  	p0 =	sne.s32 s13, $0x9FC0  }
0x70: {  	[tilespmem:s14+$0x2900] =	vst v1;
	s12 =	sadd.s32 $0x10, s12;
	s14 =	smov.u32 s13;
	s13 =	sadd.s32 $0x40, s13  }
.Ltmp3:
0x71: {  	(pc) =	sbr.rel @p0 .LBB2_4-.Ltmp3, $4  }
0x72: {  	_ = 	snop  }
0x73: {  	s14 =	sand.u32 $0xFE00, s14  }
0x74: {  	s15 =	sand.u32 $0x70, s12;
	s14 =	sshrl.u32 s14, $0x2  }
0x75: {  	s14 =	sor.u32 s15, s14  }
0x76: {  	s6 =	rddreg [dreg:$0xd]  }
0x77: {  	s21 =	rddreg [dreg:$0xe]  }
.Ltmp4:
0x78: {  	s13 =	rddreg [dreg:$0x14];
	(pc) =	sbr.rel .LBB2_6-.Ltmp4, $4  }
0x79: {  	[tilespmem:s14+$0x2900] =	vst v1;
	s12 =	simm.s32 $0x0;
	s14 =	rddreg [dreg:$0x13]  }
0x7a: {  	[tilespmem:s26], [sflag:$0x8] =	stream.linear.gather [hbm4b:s6+s12], $0x50, $0x38;
	[tilespmem:$0x1E100] =	vst v63  }
0x7b: {  	s15 =	rddreg [dreg:$0x12]  }
0x7c: {  	[tilespmem:s28], [sflag:$0x9] =	stream.linear.gather [hbm4b:s21+s12], $0x50, $0x38;
	[tilespmem:$0x1E100] =	vst v63  }
.LBB2_9:
0x7d: {  	[tilespmem:s31], [sflag:$0xA] =	stream.linear.gather [hbm4b:s15+s4], $0x50, $0x38;
	[tilespmem:$0x1E100] =	vst v63  }
.LBB2_10:
0x7e: {  	_ =	swait.ge [sflag:s2], $0x50  }
0x7f: {  	[sflag:s2] =	ssyncset.done $0x0  }
0x80: {  	[sflag:s2] =	ssyncadd.s32 $0xFFFFFFB0  }
0x81: {  	[spmem:s3] =	stream.indirect.scatter.add.f32 [tilespmem:s23], [sflag:$0x6], $0x80, s28, s30, $0xb8;
	[tilespmem:$0x1E100] =	vst v63  }
0x82: {  	_ =	swait.ge [sflag:s0], $0x2800  }
0x83: {  	s20 =	sshrl.u32 s13, $0x3;
	[sflag:s0] =	ssyncset.done $0x0  }
0x84: {  	s20 =	sadd.s32 s5, s20;
	[sflag:s0] =	ssyncadd.s32 $0xFFFFD800  }
0x85: {  	[tilespmem:s26], [sflag:$0x8] =	stream.linear.gather [hbm4b:s20+s4], $0x50, $0x38;
	[tilespmem:$0x1E100] =	vst v63  }
0x86: {  	_ =	swait.ge [sflag:s7], $0x50  }
0x87: {  	s12 =	sadd.s32 $0x1, s12;
	[sflag:s7] =	ssyncset.done $0x0  }
0x88: {  	p0 =	sne.s32 s12, $0x29;
	[sflag:s7] =	ssyncadd.s32 $0xFFFFFFB0  }
0x89: {  	[spmem:s3] =	stream.indirect.scatter.add.f32 [tilespmem:s23], [sflag:$0x7], $0x80, s31, s30, $0xb8;
	[tilespmem:$0x1E100] =	vst v63  }
.Ltmp5:
0x8a: {  	_ =	swait.ge [sflag:s17], $0x2800;
	(pc) =	sbr.rel @!p0 .LBB2_11-.Ltmp5, $4  }
0x8b: {  	[sflag:s17] =	ssyncset.done $0x0  }
0x8c: {  	[sflag:s17] =	ssyncadd.s32 $0xFFFFD800  }
0x8d: {  	[tilespmem:s28], [sflag:$0x9] =	stream.linear.gather [hbm4b:s14+s4], $0x50, $0x38;
	[tilespmem:$0x1E100] =	vst v63  }
0x8e: {  	s15 =	sadd.s32 $0x1E, s15;
	s13 =	sadd.s32 $0xF0, s13;
	s14 =	sadd.s32 $0x1E, s14  }
.LBB2_6:
0x8f: {  	p0 =	seq.s32 s12, $0x0  }
.Ltmp6:
0x90: {  	_ = 	snop;
	(pc) =	sbr.rel @p0 .LBB2_9-.Ltmp6, $4  }
0x91: {  	_ =	swait.ge [sflag:s29], $0x50  }
0x92: {  	[sflag:s29] =	ssyncset.done $0x0  }
0x93: {  	[sflag:s29] =	ssyncadd.s32 $0xFFFFFFB0  }
0x94: {  	[spmem:s3] =	stream.indirect.scatter.add.f32 [tilespmem:s23], [sflag:$0x5], $0x80, s26, s30, $0xb8;
	[tilespmem:$0x1E100] =	vst v63  }
0x95: {  	p0 =	seq.s32 s12, $0x29  }
.Ltmp7:
0x96: {  	_ = 	snop;
	(pc) =	sbr.rel @p0 .LBB2_10-.Ltmp7, $1  }
0x97: {  	_ =	sdelay $0x3  }
.Ltmp8:
0x98: {  	(pc) =	sbr.rel .LBB2_9-.Ltmp8, $4  }
0x99: {  	_ = 	snop  }
0x9a: {  	_ =	swait.ge [sflag:s18], $0x2800  }
0x9b: {  	[sflag:s18] =	ssyncset.done $0x0  }
0x9c: {  	[sflag:s18] =	ssyncadd.s32 $0xFFFFD800  }
.LBB2_11:
0x9d: {  	_ =	swait.ge [sflag:s29], $0x50  }
0x9e: {  	[sflag:s29] =	ssyncset.done $0x0  }
0x9f: {  	[sflag:s29] =	ssyncadd.s32 $0xFFFFFFB0  }
0xa0: {  	[spmem:s3] =	stream.indirect.scatter.add.f32 [tilespmem:s23], [sflag:$0x5], $0x80, s26, s30, $0xb8;
	[tilespmem:$0x1E100] =	vst v63  }
0xa1: {  	_ =	swait.ge [sflag:s2], $0x50  }
0xa2: {  	[sflag:s2] =	ssyncset.done $0x0  }
0xa3: {  	[sflag:s2] =	ssyncadd.s32 $0xFFFFFFB0  }
0xa4: {  	[spmem:s3] =	stream.indirect.scatter.add.f32 [tilespmem:s23], [sflag:$0x6], $0x80, s28, s30, $0xb8;
	[tilespmem:$0x1E100] =	vst v63  }
0xa5: {  	_ =	swait.ge [sflag:s18], $0x2800  }
0xa6: {  	[sflag:s18] =	ssyncset.done $0x0  }
0xa7: {  	[sflag:s18] =	ssyncadd.s32 $0xFFFFD800  }
0xa8: {  	_ =	swait.ge [sflag:s0], $0x2800  }
0xa9: {  	[sflag:s0] =	ssyncset.done $0x0  }
0xaa: {  	[sflag:s0] =	ssyncadd.s32 $0xFFFFD800  }
0xab: {  	_ =	swait.ge [sflag:s17], $0x2800  }
0xac: {  	[sflag:s17] =	ssyncset.done $0x0  }
0xad: {  	s6 =	stileid.u32;
	[sflag:s17] =	ssyncadd.s32 $0xFFFFD800  }
0xae: {  	s13 =	sshrl.u32 s16, $0x3;
	s12 =	sshll.u32 s6, $0x6;
	[bflag:$0x0] =	sbarrier.arrive $0xFFFF  }
0xaf: {  	s14 =	simm.s32 $0x0;
	s12 =	sor.u32 $0x1C0B, s12;
	s21 =	rddreg [dreg:$0xf]  }
0xb0: {  	[hbm:s21], [sflag:s12] =	dma.local [spmem:s13], $0x2800  }
0xb1: {  	s15 =	sand.u32 $0xFE00, s14;
	_ =	swait.ge [sflag:s24], $0x2800  }
0xb2: {  	s20 =	sand.u32 $0x70, s14;
	s21 =	sshrl.u32 s15, $0x2;
	[sflag:s24] =	ssyncset.done $0x0  }
0xb3: {  	s15 =	simm.s32 $0x40;
	s20 =	sor.u32 s20, s21;
	[sflag:s24] =	ssyncadd.s32 $0xFFFFD800  }
.LBB2_12:
0xb4: {  	p0 =	sne.s32 s15, $0x9FC0  }
0xb5: {  	[tilespmem:s20+$0x2900] =	vst v0;
	s14 =	sadd.s32 $0x10, s14;
	s20 =	smov.u32 s15;
	s15 =	sadd.s32 $0x40, s15  }
.Ltmp9:
0xb6: {  	(pc) =	sbr.rel @p0 .LBB2_12-.Ltmp9, $4  }
0xb7: {  	_ = 	snop  }
0xb8: {  	s20 =	sand.u32 $0xFE00, s20  }
0xb9: {  	s21 =	sand.u32 $0x70, s14;
	s20 =	sshrl.u32 s20, $0x2  }
0xba: {  	s20 =	sor.u32 s21, s20  }
0xbb: {  	[tilespmem:s20+$0x2900] =	vst v0  }
0xbc: {  	[spmem:s16] =	stream.linear.scatter [tilespmem:s23], [sflag:$0xB], $0x2800, $0x38;
	[tilespmem:$0x1E100] =	vst v63  }
0xbd: {  	_ =	swait.ge [sflag:s24], $0x2800  }
0xbe: {  	[sflag:s24] =	ssyncset.done $0x0  }
0xbf: {  	[sflag:s24] =	ssyncadd.s32 $0xFFFFD800  }
0xc0: {  	[spmem:s22] =	stream.linear.scatter [tilespmem:s23], [sflag:$0xB], $0x2800, $0x38;
	[tilespmem:$0x1E100] =	vst v63  }
0xc1: {  	_ =	swait.ge [sflag:s24], $0x2800  }
0xc2: {  	[sflag:s24] =	ssyncset.done $0x0  }
0xc3: {  	s6 =	rddreg [dreg:$0x7];
	[sflag:s24] =	ssyncadd.s32 $0xFFFFD800  }
0xc4: {  	[spmem:s6] =	stream.linear.scatter [tilespmem:s23], [sflag:$0xB], $0x2800, $0x38;
	[tilespmem:$0x1E100] =	vst v63  }
0xc5: {  	_ =	swait.ge [sflag:s24], $0x2800  }
0xc6: {  	[sflag:s24] =	ssyncset.done $0x0  }
0xc7: {  	s22 =	rddreg [dreg:$0x8];
	[sflag:s24] =	ssyncadd.s32 $0xFFFFD800  }
0xc8: {  	[spmem:s22] =	stream.linear.scatter [tilespmem:s23], [sflag:$0xB], $0x2800, $0x38;
	[tilespmem:$0x1E100] =	vst v63  }
0xc9: {  	_ =	swait.ge [sflag:s24], $0x2800  }
0xca: {  	[sflag:s24] =	ssyncset.done $0x0  }
0xcb: {  	s14 =	rddreg [dreg:$0x9];
	[sflag:s24] =	ssyncadd.s32 $0xFFFFD800  }
0xcc: {  	[spmem:s14] =	stream.linear.scatter [tilespmem:s23], [sflag:$0xB], $0x2800, $0x38;
	[tilespmem:$0x1E100] =	vst v63  }
0xcd: {  	_ =	swait.ge [sflag:s24], $0x2800  }
0xce: {  	[sflag:s24] =	ssyncset.done $0x0  }
0xcf: {  	s15 =	rddreg [dreg:$0xa];
	[sflag:s24] =	ssyncadd.s32 $0xFFFFD800  }
0xd0: {  	[spmem:s15] =	stream.linear.scatter [tilespmem:s23], [sflag:$0xB], $0x2800, $0x38;
	[tilespmem:$0x1E100] =	vst v63  }
0xd1: {  	_ =	swait.ge [sflag:s24], $0x2800  }
0xd2: {  	[sflag:s24] =	ssyncset.done $0x0  }
0xd3: {  	s16 =	rddreg [dreg:$0xb];
	[sflag:s24] =	ssyncadd.s32 $0xFFFFD800  }
0xd4: {  	[spmem:s16] =	stream.linear.scatter [tilespmem:s23], [sflag:$0xB], $0x2800, $0x38;
	[tilespmem:$0x1E100] =	vst v63  }
0xd5: {  	_ =	swait.ge [sflag:s24], $0x2800  }
0xd6: {  	[sflag:s24] =	ssyncset.done $0x0  }
0xd7: {  	s20 =	rddreg [dreg:$0xc];
	[sflag:s24] =	ssyncadd.s32 $0xFFFFD800  }
0xd8: {  	[spmem:s20] =	stream.linear.scatter [tilespmem:s23], [sflag:$0xB], $0x2800, $0x38;
	[tilespmem:$0x1E100] =	vst v63  }
0xd9: {  	_ =	swait.ge [sflag:s24], $0x2800  }
0xda: {  	[sflag:s24] =	ssyncset.done $0x0  }
0xdb: {  	[sflag:s24] =	ssyncadd.s32 $0xFFFFD800  }
0xdc: {  	[bflag:$0x0] =	sbarrier.arrive $0xFFFF  }
0xdd: {  	s14 =	simm.s32 $0x0;
	s21 =	rddreg [dreg:$0xd]  }
0xde: {  	[tilespmem:s26], [sflag:$0x8] =	stream.linear.gather [hbm4b:s21+s14], $0x50, $0x38;
	[tilespmem:$0x1E100] =	vst v63  }
0xdf: {  	s22 =	rddreg [dreg:$0xe]  }
0xe0: {  	[tilespmem:s23], [sflag:$0x2] =	stream.indirect.gather [hbm4b:s1+s30], $0x80, s14, s30, $0xb8;
	[tilespmem:$0x1E100] =	vst v63  }
.Ltmp10:
0xe1: {  	s20 =	rddreg [dreg:$0x12];
	(pc) =	sbr.rel .LBB2_14-.Ltmp10, $4  }
0xe2: {  	s21 =	rddreg [dreg:$0x13]  }
0xe3: {  	[tilespmem:s28], [sflag:$0x9] =	stream.linear.gather [hbm4b:s22+s14], $0x50, $0x38;
	[tilespmem:$0x1E100] =	vst v63  }
0xe4: {  	s15 =	simm.s32 $0x0;
	s22 =	rddreg [dreg:$0x14]  }
0xe5: {  	[tilespmem:s19], [sflag:$0x3] =	stream.indirect.gather [hbm4b:s1+s30], $0x80, s30, s30, $0xb8;
	[tilespmem:$0x1E100] =	vst v63  }
.LBB2_17:
0xe6: {  	[tilespmem:s31], [sflag:$0xA] =	stream.linear.gather [hbm4b:s20+s4], $0x50, $0x38;
	[tilespmem:$0x1E100] =	vst v63  }
0xe7: {  	s16 =	sshra.s32 s14, $0x2  }
0xe8: {  	s16 =	sadd.s32 $0xA0, s16  }
0xe9: {  	[tilespmem:s8], [sflag:$0x4] =	stream.indirect.gather [hbm4b:s1+s30], $0x80, s16, s30, $0xb8;
	[tilespmem:$0x1E100] =	vst v63  }
.LBB2_18:
0xea: {  	_ =	swait.ge [sflag:s9], $0x2800  }
0xeb: {  	[sflag:s9] =	ssyncset.done $0x0  }
0xec: {  	[sflag:s9] =	ssyncadd.s32 $0xFFFFD800  }
0xed: {  	_ =	swait.ge [sflag:s2], $0x50  }
0xee: {  	[sflag:s2] =	ssyncset.done $0x0  }
0xef: {  	[sflag:s2] =	ssyncadd.s32 $0xFFFFFFB0  }
0xf0: {  	[spmem:s3] =	stream.indirect.scatter.add.f32 [tilespmem:s19], [sflag:$0x6], $0x80, s28, s30, $0xb8;
	[tilespmem:$0x1E100] =	vst v63  }
0xf1: {  	_ =	swait.ge [sflag:s0], $0x2800  }
0xf2: {  	s16 =	sshrl.u32 s22, $0x3;
	[sflag:s0] =	ssyncset.done $0x0  }
0xf3: {  	s16 =	sadd.s32 s5, s16;
	[sflag:s0] =	ssyncadd.s32 $0xFFFFD800  }
0xf4: {  	[tilespmem:s26], [sflag:$0x8] =	stream.linear.gather [hbm4b:s16+s4], $0x50, $0x38;
	[tilespmem:$0x1E100] =	vst v63  }
0xf5: {  	s16 =	sshra.s32 s14, $0x2  }
0xf6: {  	s6 =	sadd.s32 $0xF0, s16  }
0xf7: {  	[tilespmem:s23], [sflag:$0x2] =	stream.indirect.gather [hbm4b:s1+s30], $0x80, s6, s30, $0xb8;
	[tilespmem:$0x1E100] =	vst v63  }
0xf8: {  	_ =	swait.ge [sflag:s10], $0x2800  }
0xf9: {  	[sflag:s10] =	ssyncset.done $0x0  }
0xfa: {  	[sflag:s10] =	ssyncadd.s32 $0xFFFFD800  }
0xfb: {  	_ =	swait.ge [sflag:s7], $0x50  }
0xfc: {  	[sflag:s7] =	ssyncset.done $0x0  }
0xfd: {  	s14 =	sadd.s32 $0x3C0, s14;
	[sflag:s7] =	ssyncadd.s32 $0xFFFFFFB0  }
0xfe: {  	[spmem:s3] =	stream.indirect.scatter.add.f32 [tilespmem:s8], [sflag:$0x7], $0x80, s31, s30, $0xb8;
	[tilespmem:$0x1E100] =	vst v63  }
0xff: {  	p0 =	sne.s32 s14, $0x99C0;
	_ =	swait.ge [sflag:s17], $0x2800  }
.Ltmp11:
0x100: {  	[sflag:s17] =	ssyncset.done $0x0;
	(pc) =	sbr.rel @!p0 .LBB2_19-.Ltmp11, $4  }
0x101: {  	s15 =	sadd.s32 $0x1, s15;
	s20 =	sadd.s32 $0x1E, s20;
	[sflag:s17] =	ssyncadd.s32 $0xFFFFD800  }
0x102: {  	[tilespmem:s28], [sflag:$0x9] =	stream.linear.gather [hbm4b:s21+s4], $0x50, $0x38;
	[tilespmem:$0x1E100] =	vst v63  }
0x103: {  	s22 =	sadd.s32 $0xF0, s22;
	s16 =	sadd.s32 $0x140, s16;
	s21 =	sadd.s32 $0x1E, s21  }
0x104: {  	[tilespmem:s19], [sflag:$0x3] =	stream.indirect.gather [hbm4b:s1+s30], $0x80, s16, s30, $0xb8;
	[tilespmem:$0x1E100] =	vst v63  }
.LBB2_14:
0x105: {  	_ =	swait.ge [sflag:s25], $0x2800  }
0x106: {  	p0 =	seq.s32 s15, $0x0;
	[sflag:s25] =	ssyncset.done $0x0  }
.Ltmp12:
0x107: {  	[sflag:s25] =	ssyncadd.s32 $0xFFFFD800;
	(pc) =	sbr.rel @p0 .LBB2_17-.Ltmp12, $4  }
0x108: {  	_ =	swait.ge [sflag:s29], $0x50  }
0x109: {  	[sflag:s29] =	ssyncset.done $0x0  }
0x10a: {  	[sflag:s29] =	ssyncadd.s32 $0xFFFFFFB0  }
0x10b: {  	[spmem:s3] =	stream.indirect.scatter.add.f32 [tilespmem:s23], [sflag:$0x5], $0x80, s26, s30, $0xb8;
	[tilespmem:$0x1E100] =	vst v63  }
0x10c: {  	p0 =	seq.s32 s15, $0x29  }
.Ltmp13:
0x10d: {  	_ = 	snop;
	(pc) =	sbr.rel @p0 .LBB2_18-.Ltmp13, $1  }
0x10e: {  	_ =	sdelay $0x3  }
.Ltmp14:
0x10f: {  	(pc) =	sbr.rel .LBB2_17-.Ltmp14, $4  }
0x110: {  	_ = 	snop  }
0x111: {  	_ =	swait.ge [sflag:s18], $0x2800  }
0x112: {  	[sflag:s18] =	ssyncset.done $0x0  }
0x113: {  	[sflag:s18] =	ssyncadd.s32 $0xFFFFD800  }
.LBB2_20:
0x114: {  	_ =	sfence.sel $0x180000  }
0x115: {  	[bflag:$0x0] =	sbarrier.arrive $0xFFFF  }
0x116: {  	_ =	strace $0x90000047  }
0x117: {  	s0 =	stileid.u32;
	[bflag:$0x2] =	sbarrier.arrive $0xFFFF  }
0x118: {  	p0 =	sne.s32 s0, $0x0;
	s0 =	rddreg [dreg:$0x3]  }
0x119: {  	s0 =	sadd.s32 @!p0 $0x100000, s0  }
0x11a: {  	[sflag:s0] =	ssyncadd.tile.s32 @!p0 $0x1;
	_ =	shalt  }
.Lfunc_end2:
_tile_overlayer_lowered:
.L_overlay_start_2:
0x11b: {  	(tag) =	ssettag $0x2  }
0x11c: {  	s0 =	rddreg [dreg:$0x0];
	s2 =	stileid.u32  }
0x11d: {  	s1 =	rddreg [dreg:$0x1];
	p0 =	sne.s32 s2, $0x0  }
0x11e: {  	s3 =	rddreg [dreg:$0x2];
	[bflag:$0x3] =	sbarrier.arrive $0xFFFF;
	s2 =	simm.s32 @!p0 $0x1C0B  }
0x11f: {  	[timem:s3], [sflag:s2] =	dma.local @!p0 [hbm:s0], s1  }
0x120: {  	s0 =	simm.s32 @!p0 $0xB  }
0x121: {  	_ =	swait.ge @!p0 [sflag:s0], s1  }
0x122: {  	s1 =	ssub.s32 @!p0 $0x0, s1;
	[sflag:s0] =	ssyncset.done @!p0 $0x0  }
0x123: {  	[sflag:s0] =	ssyncadd.s32 @!p0 s1  }
0x124: {  	[bflag:$0x3] =	sbarrier.arrive $0xFFFF  }
0x125: {  	_ =	shalt  }

</sc_bundles>
